<compile_context>
chip_gen: v7x
topology: tpu7x:2x2x1
jax: 0.10.2.dev20260603
libtpu: 0.0.44.dev20260713+nightly
codegen_flags: <defaults>
</compile_context>

<pallas_src>
import functools

import jax
import jax.numpy as jnp
from jax import lax
from jax.experimental import pallas as pl
from jax.experimental.pallas import tpu as pltpu
from jax.experimental.pallas import tpu_sc as plsc

_N = 10000
_C = 128
_H = 4
_E = 320000

_NC = 2
_NS = 16
_NW = _NC * _NS

_BLK = 128
_NBLK = _E // _BLK
_CB = 20
_NTASK = _NBLK // _CB
_EPT = _CB * _BLK
_OPT = _EPT * _H
_KMAX = (_NTASK + _NW - 1) // _NW
_MITER = _EPT // 16


_NODE_BLK = 128
_NTBLK = (_N + _NODE_BLK - 1) // _NODE_BLK
_N_PAD = _NTBLK * _NODE_BLK
_MMB = 2048


def _mm_body(w_ref, x_ref, o_ref):
    xb = x_ref[...]
    dims = (((0,), (1,)), ((), ()))
    o_ref[0:_H, 0:_N] = lax.dot_general(
        w_ref[0:_C, :], xb, dims, preferred_element_type=jnp.float32)
    o_ref[_H:2 * _H, 0:_N] = lax.dot_general(
        w_ref[_C:2 * _C, :], xb, dims, preferred_element_type=jnp.float32)


def _node_projection(x, att):
    return pl.pallas_call(
        _mm_body,
        out_shape=jax.ShapeDtypeStruct((2 * _H, _N_PAD), jnp.float32),
    )(att, x)


_mesh = plsc.VectorSubcoreMesh(core_axis_name="c", subcore_axis_name="s",
                               num_cores=_NC, num_subcores=_NS)


@functools.partial(
    pl.kernel,
    out_type=jax.ShapeDtypeStruct((_E * _H,), jnp.float32),
    mesh=_mesh,
    compiler_params=pltpu.CompilerParams(needs_layout_passes=False),
    scratch_types=[
        pltpu.VMEM((_NTBLK * 2 * _H * _NODE_BLK,), jnp.float32),
        pltpu.VMEM_SHARED((_NTBLK * 2 * _H * _NODE_BLK,), jnp.float32),

        pltpu.VMEM((_EPT,), jnp.int32),
        pltpu.VMEM((_EPT,), jnp.int32),
        pltpu.VMEM((_EPT,), jnp.int32),
        pltpu.VMEM((_EPT,), jnp.int32),
        pltpu.VMEM((_OPT,), jnp.float32),
        pltpu.VMEM((_OPT,), jnp.float32),
        pltpu.SemaphoreType.DMA,
        pltpu.SemaphoreType.DMA,
        pltpu.SemaphoreType.DMA,
        pltpu.SemaphoreType.DMA,
    ],
)
def _sc_edges(tbl_hbm, adj_hbm, out_hbm, tbl_v, tbl_spm,
              src_v0, src_v1, tgt_v0, tgt_v1, out_v0, out_v1,
              sin0, sin1, sout0, sout1):
    wid = lax.axis_index("s") * _NC + lax.axis_index("c")

    srcs = (src_v0, src_v1)
    tgts = (tgt_v0, tgt_v1)
    outs = (out_v0, out_v1)
    sins = (sin0, sin1)
    souts = (sout0, sout1)

    def task_id(k):
        return wid + _NW * k

    def task_valid(k):
        return task_id(k) < _NTASK

    def start_in(k, b):
        off = task_id(k) * _EPT
        pltpu.async_copy(adj_hbm.at[0, pl.ds(off, _EPT)], srcs[b], sins[b])
        pltpu.async_copy(adj_hbm.at[1, pl.ds(off, _EPT)], tgts[b], sins[b])

    def wait_in(k, b):
        off = task_id(k) * _EPT
        pltpu.make_async_copy(adj_hbm.at[0, pl.ds(off, _EPT)], srcs[b],
                              sins[b]).wait()
        pltpu.make_async_copy(adj_hbm.at[1, pl.ds(off, _EPT)], tgts[b],
                              sins[b]).wait()

    def start_out(k, b):
        off = task_id(k) * _OPT
        pltpu.async_copy(outs[b], out_hbm.at[pl.ds(off, _OPT)], souts[b])

    def wait_out(k, b):
        off = task_id(k) * _OPT
        pltpu.make_async_copy(outs[b], out_hbm.at[pl.ds(off, _OPT)],
                              souts[b]).wait()

    def compute(k, b):
        src_v, tgt_v, out_v = srcs[b], tgts[b], outs[b]

        @plsc.parallel_loop(0, _MITER, unroll=4)
        def body(m):
            s = src_v[pl.ds(m * 16, 16)]
            t = tgt_v[pl.ds(m * 16, 16)]
            bs = (lax.shift_right_logical(s, 7) * (2 * _H * _NODE_BLK)
                  + lax.bitwise_and(s, _NODE_BLK - 1))
            bt = (lax.shift_right_logical(t, 7) * (2 * _H * _NODE_BLK)
                  + lax.bitwise_and(t, _NODE_BLK - 1))
            obase = (m // 8) * (_H * _BLK) + (m % 8) * 16
            for h in range(_H):
                u = plsc.load_gather(tbl_v, [bs + (h * _NODE_BLK)])
                v = plsc.load_gather(tbl_v, [bt + ((_H + h) * _NODE_BLK)])
                out_v[pl.ds(obase + h * _BLK, 16)] = jnp.maximum(u + v, 0.0)

    start_in(0, 0)
    _TBLW = _NTBLK * 2 * _H * _NODE_BLK
    _SEG = _TBLW // _NS
    sid = lax.axis_index("s")
    pltpu.sync_copy(tbl_hbm.at[pl.ds(sid * _SEG, _SEG)],
                    out_v0.at[pl.ds(0, _SEG)])
    pltpu.sync_copy(out_v0.at[pl.ds(0, _SEG)],
                    tbl_spm.at[pl.ds(sid * _SEG, _SEG)])
    plsc.subcore_barrier()
    pltpu.sync_copy(tbl_spm, tbl_v)

    def pair(kk, carry):
        k0 = 2 * kk
        k1 = k0 + 1

        @pl.when(task_valid(k1))
        def _():
            start_in(k1, 1)
        wait_in(k0, 0)

        @pl.when(k0 >= 2)
        def _():
            wait_out(k0 - 2, 0)
        compute(k0, 0)
        start_out(k0, 0)

        @pl.when(task_valid(k0 + 2))
        def _():
            start_in(k0 + 2, 0)

        @pl.when(task_valid(k1))
        def _():
            wait_in(k1, 1)

            @pl.when(k1 >= 3)
            def _():
                wait_out(k1 - 2, 1)
            compute(k1, 1)
            start_out(k1, 1)
        return carry

    lax.fori_loop(0, _KMAX // 2, pair, 0)
    wait_out(_KMAX - 2, 0)

    @pl.when(task_valid(_KMAX - 1))
    def _():
        wait_out(_KMAX - 1, 1)


def kernel(x_0, adjacency_0, att_parameter):
    adj = adjacency_0.astype(jnp.int32)
    p = _node_projection(x_0, att_parameter)
    tbl = p.reshape(2 * _H, _NTBLK, _NODE_BLK).transpose(1, 0, 2).reshape(-1)
    out_flat = _sc_edges(tbl, adj)
    out = out_flat.reshape(_NBLK, _H, _BLK).transpose(0, 2, 1).reshape(_E, _H)
    return out

# --- scband reference (transcript-rebuilt; emitter-appended) ---
"""Pipeline reference for scband-multi-head-lift-layer-67319317397857 (READ-ONLY COPY).

The authoritative reference and input builder live on the scoring server;
editing this copy changes nothing except your own understanding.
"""

import jax, jax.numpy as jnp
import numpy as np

IN_CHANNELS_0 = 128
HEADS = 4
N_NODES = 10000
N_EDGES = 320000


def setup_inputs(seed: int = 0) -> dict:
    key = jax.random.key(seed)
    k1, k2, k3 = jax.random.split(key, 3)
    x_0 = jax.random.normal(k1, (N_NODES, IN_CHANNELS_0), dtype=jnp.float32)
    adjacency_0 = jax.random.randint(k2, (2, N_EDGES), 0, N_NODES, dtype=jnp.int64)
    # Xavier uniform init with gain = calculate_gain('relu') = sqrt(2)
    fan_in = 2 * IN_CHANNELS_0
    fan_out = HEADS
    gain = float(np.sqrt(2.0))
    bound = gain * float(np.sqrt(6.0 / (fan_in + fan_out)))
    att_parameter = jax.random.uniform(
        k3, (2 * IN_CHANNELS_0, HEADS), dtype=jnp.float32,
        minval=-bound, maxval=bound)
    return {"x_0": x_0, "adjacency_0": adjacency_0, "att_parameter": att_parameter}


def reference(x_0, adjacency_0, att_parameter):
    # LiftLayer.forward: gather node features for each edge endpoint
    source = adjacency_0[0]
    target = adjacency_0[1]
    x_source = jnp.take(x_0, source, axis=0)   # [E, C]
    x_target = jnp.take(x_0, target, axis=0)   # [E, C]
    # LiftLayer.message
    node_features_stacked = jnp.concatenate((x_source, x_target), axis=1)  # [E, 2C]
    edge_signal = jnp.einsum('ij,jh->ih', node_features_stacked, att_parameter)  # [E, H]
    attention_heads_x_1 = jax.nn.relu(edge_signal)
    # readout 'cat' is identity; dropout p=0.0 / eval mode is identity; x_1 is None
    combined_x_1 = attention_heads_x_1
    return combined_x_1

if __name__ == "__main__":
    import jax
    _d = setup_inputs()
    print(jax.jit(kernel)(*tuple(_d.values())))

</pallas_src>

<mosaic_0001>
#map = affine_map<(d0, d1) -> (0)>
#map1 = affine_map<(d0, d1) -> (0, 0)>
module attributes {stable_mosaic.version = 14 : i64} {
  func.func @_sc_edges(%arg0: i32, %arg1: i32, %arg2: memref<80896xf32, #tpu.memory_space<hbm>>, %arg3: memref<2x320000xi32, #tpu.memory_space<hbm>>, %arg4: memref<1280000xf32, #tpu.memory_space<hbm>>, %arg5: memref<80896xf32, #tpu.memory_space<vmem>>, %arg6: memref<80896xf32, #tpu.memory_space<vmem_shared>>, %arg7: memref<2560xi32, #tpu.memory_space<vmem>>, %arg8: memref<2560xi32, #tpu.memory_space<vmem>>, %arg9: memref<2560xi32, #tpu.memory_space<vmem>>, %arg10: memref<2560xi32, #tpu.memory_space<vmem>>, %arg11: memref<10240xf32, #tpu.memory_space<vmem>>, %arg12: memref<10240xf32, #tpu.memory_space<vmem>>, %arg13: memref<!tpu.dma_semaphore, #tpu.memory_space<semaphore_mem>>, %arg14: memref<!tpu.dma_semaphore, #tpu.memory_space<semaphore_mem>>, %arg15: memref<!tpu.dma_semaphore, #tpu.memory_space<semaphore_mem>>, %arg16: memref<!tpu.dma_semaphore, #tpu.memory_space<semaphore_mem>>) attributes {dimension_semantics = [#tpu.dimension_semantics<core_parallel>, #tpu.dimension_semantics<subcore_parallel>], iteration_bounds = array<i64: 2, 16>, scalar_prefetch = 0 : i64, scratch_operands = 12 : i64, tpu.core_type = #tpu.core_type<sc_vector_subcore>, window_params = [{transform_indices = #map}, {transform_indices = #map1}, {transform_indices = #map}]} {
    %mul3A = arith.constant 2 : i32
    %mul3A_0 = arith.muli %arg1, %mul3A : i32
    %add3A = arith.addi %mul3A_0, %arg0 : i32
    %add3A_1 = arith.constant 0 : i32
    %add3A_2 = arith.addi %add3A, %add3A_1 : i32
    %mul3A_3 = arith.constant 2560 : i32
    %mul3A_4 = arith.muli %add3A_2, %mul3A_3 : i32
    %dma_start3A = arith.constant 0 : i32
    %dma_start3A_5 = tpu.memref_slice %arg3[%dma_start3A, %mul3A_4] : memref<2x320000xi32, #tpu.memory_space<hbm>> -> memref<1x2560xi32, #tpu.memory_space<hbm>>
    %dma_start3A_6 = tpu.memref_squeeze %dma_start3A_5 : memref<1x2560xi32, #tpu.memory_space<hbm>> -> memref<2560xi32, #tpu.memory_space<hbm>>
    %dma_start3A_7 = tpu.memref_slice %arg3[%dma_start3A, %mul3A_4] : memref<2x320000xi32, #tpu.memory_space<hbm>> -> memref<1x2560xi32, #tpu.memory_space<hbm>>
    %dma_start3A_8 = tpu.memref_squeeze %dma_start3A_7 : memref<1x2560xi32, #tpu.memory_space<hbm>> -> memref<2560xi32, #tpu.memory_space<hbm>>
    tpu.enqueue_dma source(%dma_start3A_8 : memref<2560xi32, #tpu.memory_space<hbm>>) target(%arg7 : memref<2560xi32, #tpu.memory_space<vmem>>) target_semaphore(%arg13 : memref<!tpu.dma_semaphore, #tpu.memory_space<semaphore_mem>>)
    %dma_start3A_9 = arith.constant 1 : i32
    %dma_start3A_10 = tpu.memref_slice %arg3[%dma_start3A_9, %mul3A_4] : memref<2x320000xi32, #tpu.memory_space<hbm>> -> memref<1x2560xi32, #tpu.memory_space<hbm>>
    %dma_start3A_11 = tpu.memref_squeeze %dma_start3A_10 : memref<1x2560xi32, #tpu.memory_space<hbm>> -> memref<2560xi32, #tpu.memory_space<hbm>>
    %dma_start3A_12 = tpu.memref_slice %arg3[%dma_start3A_9, %mul3A_4] : memref<2x320000xi32, #tpu.memory_space<hbm>> -> memref<1x2560xi32, #tpu.memory_space<hbm>>
    %dma_start3A_13 = tpu.memref_squeeze %dma_start3A_12 : memref<1x2560xi32, #tpu.memory_space<hbm>> -> memref<2560xi32, #tpu.memory_space<hbm>>
    tpu.enqueue_dma source(%dma_start3A_13 : memref<2560xi32, #tpu.memory_space<hbm>>) target(%arg9 : memref<2560xi32, #tpu.memory_space<vmem>>) target_semaphore(%arg13 : memref<!tpu.dma_semaphore, #tpu.memory_space<semaphore_mem>>)
    %mul3A_14 = arith.constant 5056 : i32
    %mul3A_15 = arith.muli %arg1, %mul3A_14 : i32
    "tpu.region"() ({
      %run_scoped3A = tpu.sem_alloc : memref<!tpu.dma_semaphore, #tpu.memory_space<semaphore_mem>>
      %dma_start3A_32 = arith.constant 0 : i32
      %dma_start3A_33 = tpu.memref_slice %arg11[%dma_start3A_32] : memref<10240xf32, #tpu.memory_space<vmem>> -> memref<5056xf32, #tpu.memory_space<vmem>>
      %dma_start3A_34 = tpu.memref_slice %arg2[%mul3A_15] : memref<80896xf32, #tpu.memory_space<hbm>> -> memref<5056xf32, #tpu.memory_space<hbm>>
      %dma_start3A_35 = arith.constant 0 : i32
      %dma_start3A_36 = tpu.memref_slice %arg11[%dma_start3A_35] : memref<10240xf32, #tpu.memory_space<vmem>> -> memref<5056xf32, #tpu.memory_space<vmem>>
      %dma_start3A_37 = tpu.memref_slice %arg2[%mul3A_15] : memref<80896xf32, #tpu.memory_space<hbm>> -> memref<5056xf32, #tpu.memory_space<hbm>>
      tpu.enqueue_dma source(%dma_start3A_37 : memref<5056xf32, #tpu.memory_space<hbm>>) target(%dma_start3A_36 : memref<5056xf32, #tpu.memory_space<vmem>>) target_semaphore(%run_scoped3A : memref<!tpu.dma_semaphore, #tpu.memory_space<semaphore_mem>>)
      %dma_wait3A_38 = arith.constant 0 : i32
      %dma_wait3A_39 = tpu.memref_slice %arg11[%dma_wait3A_38] : memref<10240xf32, #tpu.memory_space<vmem>> -> memref<5056xf32, #tpu.memory_space<vmem>>
      %dma_wait3A_40 = tpu.memref_slice %arg2[%mul3A_15] : memref<80896xf32, #tpu.memory_space<hbm>> -> memref<5056xf32, #tpu.memory_space<hbm>>
      %dma_wait3A_41 = arith.constant 0 : i32
      %dma_wait3A_42 = tpu.memref_slice %arg11[%dma_wait3A_41] : memref<10240xf32, #tpu.memory_space<vmem>> -> memref<5056xf32, #tpu.memory_space<vmem>>
      %dma_wait3A_43 = tpu.memref_slice %arg2[%mul3A_15] : memref<80896xf32, #tpu.memory_space<hbm>> -> memref<5056xf32, #tpu.memory_space<hbm>>
      tpu.wait_dma2 semaphore(%run_scoped3A : memref<!tpu.dma_semaphore, #tpu.memory_space<semaphore_mem>>) src(%dma_wait3A_43 : memref<5056xf32, #tpu.memory_space<hbm>>) dst(%dma_wait3A_42 : memref<5056xf32, #tpu.memory_space<vmem>>)
      tpu.yield
    }) : () -> ()
    %mul3A_16 = arith.constant 5056 : i32
    %mul3A_17 = arith.muli %arg1, %mul3A_16 : i32
    "tpu.region"() ({
      %run_scoped3A = tpu.sem_alloc : memref<!tpu.dma_semaphore, #tpu.memory_space<semaphore_mem>>
      %dma_start3A_32 = arith.constant 0 : i32
      %dma_start3A_33 = tpu.memref_slice %arg11[%dma_start3A_32] : memref<10240xf32, #tpu.memory_space<vmem>> -> memref<5056xf32, #tpu.memory_space<vmem>>
      %dma_start3A_34 = tpu.memref_slice %arg6[%mul3A_17] : memref<80896xf32, #tpu.memory_space<vmem_shared>> -> memref<5056xf32, #tpu.memory_space<vmem_shared>>
      %dma_start3A_35 = tpu.memref_slice %arg6[%mul3A_17] : memref<80896xf32, #tpu.memory_space<vmem_shared>> -> memref<5056xf32, #tpu.memory_space<vmem_shared>>
      %dma_start3A_36 = arith.constant 0 : i32
      %dma_start3A_37 = tpu.memref_slice %arg11[%dma_start3A_36] : memref<10240xf32, #tpu.memory_space<vmem>> -> memref<5056xf32, #tpu.memory_space<vmem>>
      tpu.enqueue_dma source(%dma_start3A_37 : memref<5056xf32, #tpu.memory_space<vmem>>) target(%dma_start3A_35 : memref<5056xf32, #tpu.memory_space<vmem_shared>>) target_semaphore(%run_scoped3A : memref<!tpu.dma_semaphore, #tpu.memory_space<semaphore_mem>>)
      %dma_wait3A_38 = arith.constant 0 : i32
      %dma_wait3A_39 = tpu.memref_slice %arg11[%dma_wait3A_38] : memref<10240xf32, #tpu.memory_space<vmem>> -> memref<5056xf32, #tpu.memory_space<vmem>>
      %dma_wait3A_40 = tpu.memref_slice %arg6[%mul3A_17] : memref<80896xf32, #tpu.memory_space<vmem_shared>> -> memref<5056xf32, #tpu.memory_space<vmem_shared>>
      %dma_wait3A_41 = tpu.memref_slice %arg6[%mul3A_17] : memref<80896xf32, #tpu.memory_space<vmem_shared>> -> memref<5056xf32, #tpu.memory_space<vmem_shared>>
      %dma_wait3A_42 = arith.constant 0 : i32
      %dma_wait3A_43 = tpu.memref_slice %arg11[%dma_wait3A_42] : memref<10240xf32, #tpu.memory_space<vmem>> -> memref<5056xf32, #tpu.memory_space<vmem>>
      tpu.wait_dma2 semaphore(%run_scoped3A : memref<!tpu.dma_semaphore, #tpu.memory_space<semaphore_mem>>) src(%dma_wait3A_43 : memref<5056xf32, #tpu.memory_space<vmem>>) dst(%dma_wait3A_41 : memref<5056xf32, #tpu.memory_space<vmem_shared>>)
      tpu.yield
    }) : () -> ()
    %barrier3A = arith.constant 0 : index
    tpu.barrier barrier_id(%barrier3A)
    "tpu.region"() ({
      %run_scoped3A = tpu.sem_alloc : memref<!tpu.dma_semaphore, #tpu.memory_space<semaphore_mem>>
      tpu.enqueue_dma source(%arg6 : memref<80896xf32, #tpu.memory_space<vmem_shared>>) target(%arg5 : memref<80896xf32, #tpu.memory_space<vmem>>) target_semaphore(%run_scoped3A : memref<!tpu.dma_semaphore, #tpu.memory_space<semaphore_mem>>)
      tpu.wait_dma2 semaphore(%run_scoped3A : memref<!tpu.dma_semaphore, #tpu.memory_space<semaphore_mem>>) src(%arg6 : memref<80896xf32, #tpu.memory_space<vmem_shared>>) dst(%arg5 : memref<80896xf32, #tpu.memory_space<vmem>>)
      tpu.yield
    }) : () -> ()
    %scan3A = arith.constant 0 : i32
    %scan3A_18 = arith.constant 0 : i32
    %scan3A_19 = arith.constant 2 : i32
    %scan3A_20 = arith.addi %scan3A_18, %scan3A_19 : i32
    %scan3A_21 = arith.constant 1 : i32
    scf.for %scan3A_32 = %scan3A_18 to %scan3A_20 step %scan3A_21  : i32 {
      %mul3A_33 = arith.constant 2 : i32
      %mul3A_34 = arith.muli %mul3A_33, %scan3A_32 : i32
      %add3A_35 = arith.constant 1 : i32
      %add3A_36 = arith.addi %mul3A_34, %add3A_35 : i32
      %mul3A_37 = arith.constant 32 : i32
      %mul3A_38 = arith.muli %mul3A_37, %add3A_36 : i32
      %add3A_39 = arith.addi %add3A, %mul3A_38 : i32
      %lt3A_40 = arith.constant 125 : i32
      %lt3A_41 = arith.cmpi slt, %add3A_39, %lt3A_40 : i32
      %convert_element_type3A_42 = arith.extui %lt3A_41 : i1 to i32
      %cond3A_43 = arith.constant 0 : i32
      %cond3A_44 = arith.cmpi ne, %convert_element_type3A_42, %cond3A_43 : i32
      scf.if %cond3A_44 {
        %mul3A_91 = arith.constant 32 : i32
        %mul3A_92 = arith.muli %mul3A_91, %add3A_36 : i32
        %add3A_93 = arith.addi %add3A, %mul3A_92 : i32
        %mul3A_94 = arith.constant 2560 : i32
        %mul3A_95 = arith.muli %add3A_93, %mul3A_94 : i32
        %dma_start3A_96 = arith.constant 0 : i32
        %dma_start3A_97 = tpu.memref_slice %arg3[%dma_start3A_96, %mul3A_95] : memref<2x320000xi32, #tpu.memory_space<hbm>> -> memref<1x2560xi32, #tpu.memory_space<hbm>>
        %dma_start3A_98 = tpu.memref_squeeze %dma_start3A_97 : memref<1x2560xi32, #tpu.memory_space<hbm>> -> memref<2560xi32, #tpu.memory_space<hbm>>
        %dma_start3A_99 = tpu.memref_slice %arg3[%dma_start3A_96, %mul3A_95] : memref<2x320000xi32, #tpu.memory_space<hbm>> -> memref<1x2560xi32, #tpu.memory_space<hbm>>
        %dma_start3A_100 = tpu.memref_squeeze %dma_start3A_99 : memref<1x2560xi32, #tpu.memory_space<hbm>> -> memref<2560xi32, #tpu.memory_space<hbm>>
        tpu.enqueue_dma source(%dma_start3A_100 : memref<2560xi32, #tpu.memory_space<hbm>>) target(%arg8 : memref<2560xi32, #tpu.memory_space<vmem>>) target_semaphore(%arg14 : memref<!tpu.dma_semaphore, #tpu.memory_space<semaphore_mem>>)
        %dma_start3A_101 = arith.constant 1 : i32
        %dma_start3A_102 = tpu.memref_slice %arg3[%dma_start3A_101, %mul3A_95] : memref<2x320000xi32, #tpu.memory_space<hbm>> -> memref<1x2560xi32, #tpu.memory_space<hbm>>
        %dma_start3A_103 = tpu.memref_squeeze %dma_start3A_102 : memref<1x2560xi32, #tpu.memory_space<hbm>> -> memref<2560xi32, #tpu.memory_space<hbm>>
        %dma_start3A_104 = tpu.memref_slice %arg3[%dma_start3A_101, %mul3A_95] : memref<2x320000xi32, #tpu.memory_space<hbm>> -> memref<1x2560xi32, #tpu.memory_space<hbm>>
        %dma_start3A_105 = tpu.memref_squeeze %dma_start3A_104 : memref<1x2560xi32, #tpu.memory_space<hbm>> -> memref<2560xi32, #tpu.memory_space<hbm>>
        tpu.enqueue_dma source(%dma_start3A_105 : memref<2560xi32, #tpu.memory_space<hbm>>) target(%arg10 : memref<2560xi32, #tpu.memory_space<vmem>>) target_semaphore(%arg14 : memref<!tpu.dma_semaphore, #tpu.memory_space<semaphore_mem>>)
      } else {
      }
      %mul3A_45 = arith.constant 32 : i32
      %mul3A_46 = arith.muli %mul3A_45, %mul3A_34 : i32
      %add3A_47 = arith.addi %add3A, %mul3A_46 : i32
      %mul3A_48 = arith.constant 2560 : i32
      %mul3A_49 = arith.muli %add3A_47, %mul3A_48 : i32
      %dma_wait3A_50 = arith.constant 0 : i32
      %dma_wait3A_51 = tpu.memref_slice %arg3[%dma_wait3A_50, %mul3A_49] : memref<2x320000xi32, #tpu.memory_space<hbm>> -> memref<1x2560xi32, #tpu.memory_space<hbm>>
      %dma_wait3A_52 = tpu.memref_squeeze %dma_wait3A_51 : memref<1x2560xi32, #tpu.memory_space<hbm>> -> memref<2560xi32, #tpu.memory_space<hbm>>
      %dma_wait3A_53 = tpu.memref_slice %arg3[%dma_wait3A_50, %mul3A_49] : memref<2x320000xi32, #tpu.memory_space<hbm>> -> memref<1x2560xi32, #tpu.memory_space<hbm>>
      %dma_wait3A_54 = tpu.memref_squeeze %dma_wait3A_53 : memref<1x2560xi32, #tpu.memory_space<hbm>> -> memref<2560xi32, #tpu.memory_space<hbm>>
      tpu.wait_dma2 semaphore(%arg13 : memref<!tpu.dma_semaphore, #tpu.memory_space<semaphore_mem>>) src(%dma_wait3A_54 : memref<2560xi32, #tpu.memory_space<hbm>>) dst(%arg7 : memref<2560xi32, #tpu.memory_space<vmem>>)
      %dma_wait3A_55 = arith.constant 1 : i32
      %dma_wait3A_56 = tpu.memref_slice %arg3[%dma_wait3A_55, %mul3A_49] : memref<2x320000xi32, #tpu.memory_space<hbm>> -> memref<1x2560xi32, #tpu.memory_space<hbm>>
      %dma_wait3A_57 = tpu.memref_squeeze %dma_wait3A_56 : memref<1x2560xi32, #tpu.memory_space<hbm>> -> memref<2560xi32, #tpu.memory_space<hbm>>
      %dma_wait3A_58 = tpu.memref_slice %arg3[%dma_wait3A_55, %mul3A_49] : memref<2x320000xi32, #tpu.memory_space<hbm>> -> memref<1x2560xi32, #tpu.memory_space<hbm>>
      %dma_wait3A_59 = tpu.memref_squeeze %dma_wait3A_58 : memref<1x2560xi32, #tpu.memory_space<hbm>> -> memref<2560xi32, #tpu.memory_space<hbm>>
      tpu.wait_dma2 semaphore(%arg13 : memref<!tpu.dma_semaphore, #tpu.memory_space<semaphore_mem>>) src(%dma_wait3A_59 : memref<2560xi32, #tpu.memory_space<hbm>>) dst(%arg9 : memref<2560xi32, #tpu.memory_space<vmem>>)
      %ge3A = arith.constant 2 : i32
      %ge3A_60 = arith.cmpi sge, %mul3A_34, %ge3A : i32
      %convert_element_type3A_61 = arith.extui %ge3A_60 : i1 to i32
      %cond3A_62 = arith.constant 0 : i32
      %cond3A_63 = arith.cmpi ne, %convert_element_type3A_61, %cond3A_62 : i32
      scf.if %cond3A_63 {
        %sub3A = arith.constant 2 : i32
        %sub3A_91 = arith.subi %mul3A_34, %sub3A : i32
        %mul3A_92 = arith.constant 32 : i32
        %mul3A_93 = arith.muli %mul3A_92, %sub3A_91 : i32
        %add3A_94 = arith.addi %add3A, %mul3A_93 : i32
        %mul3A_95 = arith.constant 10240 : i32
        %mul3A_96 = arith.muli %add3A_94, %mul3A_95 : i32
        %dma_wait3A_97 = tpu.memref_slice %arg4[%mul3A_96] : memref<1280000xf32, #tpu.memory_space<hbm>> -> memref<10240xf32, #tpu.memory_space<hbm>>
        %dma_wait3A_98 = tpu.memref_slice %arg4[%mul3A_96] : memref<1280000xf32, #tpu.memory_space<hbm>> -> memref<10240xf32, #tpu.memory_space<hbm>>
        tpu.wait_dma2 semaphore(%arg15 : memref<!tpu.dma_semaphore, #tpu.memory_space<semaphore_mem>>) src(%arg11 : memref<10240xf32, #tpu.memory_space<vmem>>) dst(%dma_wait3A_98 : memref<10240xf32, #tpu.memory_space<hbm>>)
      } else {
      }
      %parallel_loop3A = arith.constant 0 : i32
      %parallel_loop3A_64 = arith.constant 160 : i32
      %parallel_loop3A_65 = arith.constant 1 : i32
      scf.for %parallel_loop3A_91 = %parallel_loop3A to %parallel_loop3A_64 step %parallel_loop3A_65  : i32 {
        %parallel_loop3A_92 = arith.constant 16 : i32
        %parallel_loop3A_93 = arith.muli %parallel_loop3A_91, %parallel_loop3A_92 : i32
        %parallel_loop3A_94 = arith.index_cast %parallel_loop3A_93 : i32 to index
        %parallel_loop3A_95 = tpu.vector_load %arg7[%parallel_loop3A_94] {strides = array<i32>} : memref<2560xi32, #tpu.memory_space<vmem>>, vector<16xi32>,
        %parallel_loop3A_96 = arith.constant 16 : i32
        %parallel_loop3A_97 = arith.muli %parallel_loop3A_91, %parallel_loop3A_96 : i32
        %parallel_loop3A_98 = arith.index_cast %parallel_loop3A_97 : i32 to index
        %parallel_loop3A_99 = tpu.vector_load %arg9[%parallel_loop3A_98] {strides = array<i32>} : memref<2560xi32, #tpu.memory_space<vmem>>, vector<16xi32>,
        %parallel_loop3A_100 = arith.constant 7 : i32
        %parallel_loop3A_101 = vector.broadcast %parallel_loop3A_100 : i32 to vector<16xi32>
        %parallel_loop3A_102 = arith.shrui %parallel_loop3A_95, %parallel_loop3A_101 : vector<16xi32>
        %parallel_loop3A_103 = arith.constant 1024 : i32
        %parallel_loop3A_104 = vector.broadcast %parallel_loop3A_103 : i32 to vector<16xi32>
        %parallel_loop3A_105 = arith.muli %parallel_loop3A_102, %parallel_loop3A_104 : vector<16xi32>
        %parallel_loop3A_106 = arith.constant 127 : i32
        %parallel_loop3A_107 = vector.broadcast %parallel_loop3A_106 : i32 to vector<16xi32>
        %parallel_loop3A_108 = arith.andi %parallel_loop3A_95, %parallel_loop3A_107 : vector<16xi32>
        %parallel_loop3A_109 = arith.addi %parallel_loop3A_105, %parallel_loop3A_108 : vector<16xi32>
        %parallel_loop3A_110 = arith.constant 7 : i32
        %parallel_loop3A_111 = vector.broadcast %parallel_loop3A_110 : i32 to vector<16xi32>
        %parallel_loop3A_112 = arith.shrui %parallel_loop3A_99, %parallel_loop3A_111 : vector<16xi32>
        %parallel_loop3A_113 = arith.constant 1024 : i32
        %parallel_loop3A_114 = vector.broadcast %parallel_loop3A_113 : i32 to vector<16xi32>
        %parallel_loop3A_115 = arith.muli %parallel_loop3A_112, %parallel_loop3A_114 : vector<16xi32>
        %parallel_loop3A_116 = arith.constant 127 : i32
        %parallel_loop3A_117 = vector.broadcast %parallel_loop3A_116 : i32 to vector<16xi32>
        %parallel_loop3A_118 = arith.andi %parallel_loop3A_99, %parallel_loop3A_117 : vector<16xi32>
        %parallel_loop3A_119 = arith.addi %parallel_loop3A_115, %parallel_loop3A_118 : vector<16xi32>
        %parallel_loop3A_120 = arith.constant 8 : i32
        %parallel_loop3A_121 = arith.divsi %parallel_loop3A_91, %parallel_loop3A_120 : i32
        %parallel_loop3A_122 = arith.constant 0 : i32
        %parallel_loop3A_123 = arith.cmpi sgt, %parallel_loop3A_91, %parallel_loop3A_122 : i32
        %parallel_loop3A_124 = arith.extui %parallel_loop3A_123 : i1 to i32
        %parallel_loop3A_125 = arith.constant 0 : i32
        %parallel_loop3A_126 = arith.cmpi slt, %parallel_loop3A_91, %parallel_loop3A_125 : i32
        %parallel_loop3A_127 = arith.extui %parallel_loop3A_126 : i1 to i32
        %parallel_loop3A_128 = arith.subi %parallel_loop3A_124, %parallel_loop3A_127 : i32
        %parallel_loop3A_129 = arith.constant 0 : i32
        %parallel_loop3A_130 = arith.cmpi sgt, %parallel_loop3A_120, %parallel_loop3A_129 : i32
        %parallel_loop3A_131 = arith.extui %parallel_loop3A_130 : i1 to i32
        %parallel_loop3A_132 = arith.constant 0 : i32
        %parallel_loop3A_133 = arith.cmpi slt, %parallel_loop3A_120, %parallel_loop3A_132 : i32
        %parallel_loop3A_134 = arith.extui %parallel_loop3A_133 : i1 to i32
        %parallel_loop3A_135 = arith.subi %parallel_loop3A_131, %parallel_loop3A_134 : i32
        %parallel_loop3A_136 = arith.cmpi ne, %parallel_loop3A_128, %parallel_loop3A_135 : i32
        %parallel_loop3A_137 = arith.remsi %parallel_loop3A_91, %parallel_loop3A_120 : i32
        %parallel_loop3A_138 = arith.constant 0 : i32
        %parallel_loop3A_139 = arith.cmpi ne, %parallel_loop3A_137, %parallel_loop3A_138 : i32
        %parallel_loop3A_140 = arith.andi %parallel_loop3A_136, %parallel_loop3A_139 : i1
        %parallel_loop3A_141 = arith.constant 1 : i32
        %parallel_loop3A_142 = arith.subi %parallel_loop3A_121, %parallel_loop3A_141 : i32
        %parallel_loop3A_143 = arith.select %parallel_loop3A_140, %parallel_loop3A_142, %parallel_loop3A_121 : i32
        %parallel_loop3A_144 = arith.constant 512 : i32
        %parallel_loop3A_145 = arith.muli %parallel_loop3A_143, %parallel_loop3A_144 : i32
        %parallel_loop3A_146 = arith.constant 8 : i32
        %parallel_loop3A_147 = arith.constant 0 : i32
        %parallel_loop3A_148 = arith.cmpi eq, %parallel_loop3A_146, %parallel_loop3A_147 : i32
        %parallel_loop3A_149 = arith.constant 1 : i32
        %parallel_loop3A_150 = arith.select %parallel_loop3A_148, %parallel_loop3A_149, %parallel_loop3A_146 : i32
        %parallel_loop3A_151 = arith.remsi %parallel_loop3A_91, %parallel_loop3A_150 : i32
        %parallel_loop3A_152 = arith.constant 0 : i32
        %parallel_loop3A_153 = arith.cmpi ne, %parallel_loop3A_151, %parallel_loop3A_152 : i32
        %parallel_loop3A_154 = arith.constant 0 : i32
        %parallel_loop3A_155 = arith.cmpi slt, %parallel_loop3A_151, %parallel_loop3A_154 : i32
        %parallel_loop3A_156 = arith.constant 0 : i32
        %parallel_loop3A_157 = arith.cmpi slt, %parallel_loop3A_150, %parallel_loop3A_156 : i32
        %parallel_loop3A_158 = arith.xori %parallel_loop3A_155, %parallel_loop3A_157 : i1
        %parallel_loop3A_159 = arith.andi %parallel_loop3A_158, %parallel_loop3A_153 : i1
        %parallel_loop3A_160 = arith.addi %parallel_loop3A_151, %parallel_loop3A_150 : i32
        %parallel_loop3A_161 = arith.select %parallel_loop3A_159, %parallel_loop3A_160, %parallel_loop3A_151 : i32
        %parallel_loop3A_162 = arith.constant 16 : i32
        %parallel_loop3A_163 = arith.muli %parallel_loop3A_161, %parallel_loop3A_162 : i32
        %parallel_loop3A_164 = arith.addi %parallel_loop3A_145, %parallel_loop3A_163 : i32
        %parallel_loop3A_165 = arith.constant 0 : i32
        %parallel_loop3A_166 = vector.broadcast %parallel_loop3A_165 : i32 to vector<16xi32>
        %parallel_loop3A_167 = arith.addi %parallel_loop3A_109, %parallel_loop3A_166 : vector<16xi32>
        %parallel_loop3A_168 = tpu.vector_load_idx %arg5[%parallel_loop3A_167] : memref<80896xf32, #tpu.memory_space<vmem>>[vector<16xi32>], vector<16xf32>,
        %parallel_loop3A_169 = arith.constant 512 : i32
        %parallel_loop3A_170 = vector.broadcast %parallel_loop3A_169 : i32 to vector<16xi32>
        %parallel_loop3A_171 = arith.addi %parallel_loop3A_119, %parallel_loop3A_170 : vector<16xi32>
        %parallel_loop3A_172 = tpu.vector_load_idx %arg5[%parallel_loop3A_171] : memref<80896xf32, #tpu.memory_space<vmem>>[vector<16xi32>], vector<16xf32>,
        %parallel_loop3A_173 = arith.addf %parallel_loop3A_168, %parallel_loop3A_172 : vector<16xf32>
        %parallel_loop3A_174 = arith.constant 0.000000e+00 : f32
        %parallel_loop3A_175 = vector.broadcast %parallel_loop3A_174 : f32 to vector<16xf32>
        %parallel_loop3A_176 = arith.maximumf %parallel_loop3A_173, %parallel_loop3A_175 : vector<16xf32>
        %parallel_loop3A_177 = arith.constant 0 : i32
        %parallel_loop3A_178 = arith.addi %parallel_loop3A_164, %parallel_loop3A_177 : i32
        %parallel_loop3A_179 = arith.index_cast %parallel_loop3A_178 : i32 to index
        %parallel_loop3A_180 = tpu.vector_load %arg11[%parallel_loop3A_179] {strides = array<i32>} : memref<10240xf32, #tpu.memory_space<vmem>>, vector<16xf32>,
        tpu.vector_store %arg11[%parallel_loop3A_179], %parallel_loop3A_176 {strides = array<i32>} : memref<10240xf32, #tpu.memory_space<vmem>>, vector<16xf32>,
        %parallel_loop3A_181 = arith.constant 128 : i32
        %parallel_loop3A_182 = vector.broadcast %parallel_loop3A_181 : i32 to vector<16xi32>
        %parallel_loop3A_183 = arith.addi %parallel_loop3A_109, %parallel_loop3A_182 : vector<16xi32>
        %parallel_loop3A_184 = tpu.vector_load_idx %arg5[%parallel_loop3A_183] : memref<80896xf32, #tpu.memory_space<vmem>>[vector<16xi32>], vector<16xf32>,
        %parallel_loop3A_185 = arith.constant 640 : i32
        %parallel_loop3A_186 = vector.broadcast %parallel_loop3A_185 : i32 to vector<16xi32>
        %parallel_loop3A_187 = arith.addi %parallel_loop3A_119, %parallel_loop3A_186 : vector<16xi32>
        %parallel_loop3A_188 = tpu.vector_load_idx %arg5[%parallel_loop3A_187] : memref<80896xf32, #tpu.memory_space<vmem>>[vector<16xi32>], vector<16xf32>,
        %parallel_loop3A_189 = arith.addf %parallel_loop3A_184, %parallel_loop3A_188 : vector<16xf32>
        %parallel_loop3A_190 = arith.constant 0.000000e+00 : f32
        %parallel_loop3A_191 = vector.broadcast %parallel_loop3A_190 : f32 to vector<16xf32>
        %parallel_loop3A_192 = arith.maximumf %parallel_loop3A_189, %parallel_loop3A_191 : vector<16xf32>
        %parallel_loop3A_193 = arith.constant 128 : i32
        %parallel_loop3A_194 = arith.addi %parallel_loop3A_164, %parallel_loop3A_193 : i32
        %parallel_loop3A_195 = arith.index_cast %parallel_loop3A_194 : i32 to index
        %parallel_loop3A_196 = tpu.vector_load %arg11[%parallel_loop3A_195] {strides = array<i32>} : memref<10240xf32, #tpu.memory_space<vmem>>, vector<16xf32>,
        tpu.vector_store %arg11[%parallel_loop3A_195], %parallel_loop3A_192 {strides = array<i32>} : memref<10240xf32, #tpu.memory_space<vmem>>, vector<16xf32>,
        %parallel_loop3A_197 = arith.constant 256 : i32
        %parallel_loop3A_198 = vector.broadcast %parallel_loop3A_197 : i32 to vector<16xi32>
        %parallel_loop3A_199 = arith.addi %parallel_loop3A_109, %parallel_loop3A_198 : vector<16xi32>
        %parallel_loop3A_200 = tpu.vector_load_idx %arg5[%parallel_loop3A_199] : memref<80896xf32, #tpu.memory_space<vmem>>[vector<16xi32>], vector<16xf32>,
        %parallel_loop3A_201 = arith.constant 768 : i32
        %parallel_loop3A_202 = vector.broadcast %parallel_loop3A_201 : i32 to vector<16xi32>
        %parallel_loop3A_203 = arith.addi %parallel_loop3A_119, %parallel_loop3A_202 : vector<16xi32>
        %parallel_loop3A_204 = tpu.vector_load_idx %arg5[%parallel_loop3A_203] : memref<80896xf32, #tpu.memory_space<vmem>>[vector<16xi32>], vector<16xf32>,
        %parallel_loop3A_205 = arith.addf %parallel_loop3A_200, %parallel_loop3A_204 : vector<16xf32>
        %parallel_loop3A_206 = arith.constant 0.000000e+00 : f32
        %parallel_loop3A_207 = vector.broadcast %parallel_loop3A_206 : f32 to vector<16xf32>
        %parallel_loop3A_208 = arith.maximumf %parallel_loop3A_205, %parallel_loop3A_207 : vector<16xf32>
        %parallel_loop3A_209 = arith.constant 256 : i32
        %parallel_loop3A_210 = arith.addi %parallel_loop3A_164, %parallel_loop3A_209 : i32
        %parallel_loop3A_211 = arith.index_cast %parallel_loop3A_210 : i32 to index
        %parallel_loop3A_212 = tpu.vector_load %arg11[%parallel_loop3A_211] {strides = array<i32>} : memref<10240xf32, #tpu.memory_space<vmem>>, vector<16xf32>,
        tpu.vector_store %arg11[%parallel_loop3A_211], %parallel_loop3A_208 {strides = array<i32>} : memref<10240xf32, #tpu.memory_space<vmem>>, vector<16xf32>,
        %parallel_loop3A_213 = arith.constant 384 : i32
        %parallel_loop3A_214 = vector.broadcast %parallel_loop3A_213 : i32 to vector<16xi32>
        %parallel_loop3A_215 = arith.addi %parallel_loop3A_109, %parallel_loop3A_214 : vector<16xi32>
        %parallel_loop3A_216 = tpu.vector_load_idx %arg5[%parallel_loop3A_215] : memref<80896xf32, #tpu.memory_space<vmem>>[vector<16xi32>], vector<16xf32>,
        %parallel_loop3A_217 = arith.constant 896 : i32
        %parallel_loop3A_218 = vector.broadcast %parallel_loop3A_217 : i32 to vector<16xi32>
        %parallel_loop3A_219 = arith.addi %parallel_loop3A_119, %parallel_loop3A_218 : vector<16xi32>
        %parallel_loop3A_220 = tpu.vector_load_idx %arg5[%parallel_loop3A_219] : memref<80896xf32, #tpu.memory_space<vmem>>[vector<16xi32>], vector<16xf32>,
        %parallel_loop3A_221 = arith.addf %parallel_loop3A_216, %parallel_loop3A_220 : vector<16xf32>
        %parallel_loop3A_222 = arith.constant 0.000000e+00 : f32
        %parallel_loop3A_223 = vector.broadcast %parallel_loop3A_222 : f32 to vector<16xf32>
        %parallel_loop3A_224 = arith.maximumf %parallel_loop3A_221, %parallel_loop3A_223 : vector<16xf32>
        %parallel_loop3A_225 = arith.constant 384 : i32
        %parallel_loop3A_226 = arith.addi %parallel_loop3A_164, %parallel_loop3A_225 : i32
        %parallel_loop3A_227 = arith.index_cast %parallel_loop3A_226 : i32 to index
        %parallel_loop3A_228 = tpu.vector_load %arg11[%parallel_loop3A_227] {strides = array<i32>} : memref<10240xf32, #tpu.memory_space<vmem>>, vector<16xf32>,
        tpu.vector_store %arg11[%parallel_loop3A_227], %parallel_loop3A_224 {strides = array<i32>} : memref<10240xf32, #tpu.memory_space<vmem>>, vector<16xf32>,
      } {sc.loop_unroll_factor = 4 : i64, sc.parallel_access}
      %mul3A_66 = arith.constant 32 : i32
      %mul3A_67 = arith.muli %mul3A_66, %mul3A_34 : i32
      %add3A_68 = arith.addi %add3A, %mul3A_67 : i32
      %mul3A_69 = arith.constant 10240 : i32
      %mul3A_70 = arith.muli %add3A_68, %mul3A_69 : i32
      %dma_start3A_71 = tpu.memref_slice %arg4[%mul3A_70] : memref<1280000xf32, #tpu.memory_space<hbm>> -> memref<10240xf32, #tpu.memory_space<hbm>>
      %dma_start3A_72 = tpu.memref_slice %arg4[%mul3A_70] : memref<1280000xf32, #tpu.memory_space<hbm>> -> memref<10240xf32, #tpu.memory_space<hbm>>
      tpu.enqueue_dma source(%arg11 : memref<10240xf32, #tpu.memory_space<vmem>>) target(%dma_start3A_72 : memref<10240xf32, #tpu.memory_space<hbm>>) target_semaphore(%arg15 : memref<!tpu.dma_semaphore, #tpu.memory_space<semaphore_mem>>)
      %add3A_73 = arith.constant 2 : i32
      %add3A_74 = arith.addi %mul3A_34, %add3A_73 : i32
      %mul3A_75 = arith.constant 32 : i32
      %mul3A_76 = arith.muli %mul3A_75, %add3A_74 : i32
      %add3A_77 = arith.addi %add3A, %mul3A_76 : i32
      %lt3A_78 = arith.constant 125 : i32
      %lt3A_79 = arith.cmpi slt, %add3A_77, %lt3A_78 : i32
      %convert_element_type3A_80 = arith.extui %lt3A_79 : i1 to i32
      %cond3A_81 = arith.constant 0 : i32
      %cond3A_82 = arith.cmpi ne, %convert_element_type3A_80, %cond3A_81 : i32
      scf.if %cond3A_82 {
        %add3A_91 = arith.constant 2 : i32
        %add3A_92 = arith.addi %mul3A_34, %add3A_91 : i32
        %mul3A_93 = arith.constant 32 : i32
        %mul3A_94 = arith.muli %mul3A_93, %add3A_92 : i32
        %add3A_95 = arith.addi %add3A, %mul3A_94 : i32
        %mul3A_96 = arith.constant 2560 : i32
        %mul3A_97 = arith.muli %add3A_95, %mul3A_96 : i32
        %dma_start3A_98 = arith.constant 0 : i32
        %dma_start3A_99 = tpu.memref_slice %arg3[%dma_start3A_98, %mul3A_97] : memref<2x320000xi32, #tpu.memory_space<hbm>> -> memref<1x2560xi32, #tpu.memory_space<hbm>>
        %dma_start3A_100 = tpu.memref_squeeze %dma_start3A_99 : memref<1x2560xi32, #tpu.memory_space<hbm>> -> memref<2560xi32, #tpu.memory_space<hbm>>
        %dma_start3A_101 = tpu.memref_slice %arg3[%dma_start3A_98, %mul3A_97] : memref<2x320000xi32, #tpu.memory_space<hbm>> -> memref<1x2560xi32, #tpu.memory_space<hbm>>
        %dma_start3A_102 = tpu.memref_squeeze %dma_start3A_101 : memref<1x2560xi32, #tpu.memory_space<hbm>> -> memref<2560xi32, #tpu.memory_space<hbm>>
        tpu.enqueue_dma source(%dma_start3A_102 : memref<2560xi32, #tpu.memory_space<hbm>>) target(%arg7 : memref<2560xi32, #tpu.memory_space<vmem>>) target_semaphore(%arg13 : memref<!tpu.dma_semaphore, #tpu.memory_space<semaphore_mem>>)
        %dma_start3A_103 = arith.constant 1 : i32
        %dma_start3A_104 = tpu.memref_slice %arg3[%dma_start3A_103, %mul3A_97] : memref<2x320000xi32, #tpu.memory_space<hbm>> -> memref<1x2560xi32, #tpu.memory_space<hbm>>
        %dma_start3A_105 = tpu.memref_squeeze %dma_start3A_104 : memref<1x2560xi32, #tpu.memory_space<hbm>> -> memref<2560xi32, #tpu.memory_space<hbm>>
        %dma_start3A_106 = tpu.memref_slice %arg3[%dma_start3A_103, %mul3A_97] : memref<2x320000xi32, #tpu.memory_space<hbm>> -> memref<1x2560xi32, #tpu.memory_space<hbm>>
        %dma_start3A_107 = tpu.memref_squeeze %dma_start3A_106 : memref<1x2560xi32, #tpu.memory_space<hbm>> -> memref<2560xi32, #tpu.memory_space<hbm>>
        tpu.enqueue_dma source(%dma_start3A_107 : memref<2560xi32, #tpu.memory_space<hbm>>) target(%arg9 : memref<2560xi32, #tpu.memory_space<vmem>>) target_semaphore(%arg13 : memref<!tpu.dma_semaphore, #tpu.memory_space<semaphore_mem>>)
      } else {
      }
      %mul3A_83 = arith.constant 32 : i32
      %mul3A_84 = arith.muli %mul3A_83, %add3A_36 : i32
      %add3A_85 = arith.addi %add3A, %mul3A_84 : i32
      %lt3A_86 = arith.constant 125 : i32
      %lt3A_87 = arith.cmpi slt, %add3A_85, %lt3A_86 : i32
      %convert_element_type3A_88 = arith.extui %lt3A_87 : i1 to i32
      %cond3A_89 = arith.constant 0 : i32
      %cond3A_90 = arith.cmpi ne, %convert_element_type3A_88, %cond3A_89 : i32
      scf.if %cond3A_90 {
        %mul3A_91 = arith.constant 32 : i32
        %mul3A_92 = arith.muli %mul3A_91, %add3A_36 : i32
        %add3A_93 = arith.addi %add3A, %mul3A_92 : i32
        %mul3A_94 = arith.constant 2560 : i32
        %mul3A_95 = arith.muli %add3A_93, %mul3A_94 : i32
        %dma_wait3A_96 = arith.constant 0 : i32
        %dma_wait3A_97 = tpu.memref_slice %arg3[%dma_wait3A_96, %mul3A_95] : memref<2x320000xi32, #tpu.memory_space<hbm>> -> memref<1x2560xi32, #tpu.memory_space<hbm>>
        %dma_wait3A_98 = tpu.memref_squeeze %dma_wait3A_97 : memref<1x2560xi32, #tpu.memory_space<hbm>> -> memref<2560xi32, #tpu.memory_space<hbm>>
        %dma_wait3A_99 = tpu.memref_slice %arg3[%dma_wait3A_96, %mul3A_95] : memref<2x320000xi32, #tpu.memory_space<hbm>> -> memref<1x2560xi32, #tpu.memory_space<hbm>>
        %dma_wait3A_100 = tpu.memref_squeeze %dma_wait3A_99 : memref<1x2560xi32, #tpu.memory_space<hbm>> -> memref<2560xi32, #tpu.memory_space<hbm>>
        tpu.wait_dma2 semaphore(%arg14 : memref<!tpu.dma_semaphore, #tpu.memory_space<semaphore_mem>>) src(%dma_wait3A_100 : memref<2560xi32, #tpu.memory_space<hbm>>) dst(%arg8 : memref<2560xi32, #tpu.memory_space<vmem>>)
        %dma_wait3A_101 = arith.constant 1 : i32
        %dma_wait3A_102 = tpu.memref_slice %arg3[%dma_wait3A_101, %mul3A_95] : memref<2x320000xi32, #tpu.memory_space<hbm>> -> memref<1x2560xi32, #tpu.memory_space<hbm>>
        %dma_wait3A_103 = tpu.memref_squeeze %dma_wait3A_102 : memref<1x2560xi32, #tpu.memory_space<hbm>> -> memref<2560xi32, #tpu.memory_space<hbm>>
        %dma_wait3A_104 = tpu.memref_slice %arg3[%dma_wait3A_101, %mul3A_95] : memref<2x320000xi32, #tpu.memory_space<hbm>> -> memref<1x2560xi32, #tpu.memory_space<hbm>>
        %dma_wait3A_105 = tpu.memref_squeeze %dma_wait3A_104 : memref<1x2560xi32, #tpu.memory_space<hbm>> -> memref<2560xi32, #tpu.memory_space<hbm>>
        tpu.wait_dma2 semaphore(%arg14 : memref<!tpu.dma_semaphore, #tpu.memory_space<semaphore_mem>>) src(%dma_wait3A_105 : memref<2560xi32, #tpu.memory_space<hbm>>) dst(%arg10 : memref<2560xi32, #tpu.memory_space<vmem>>)
        %ge3A_106 = arith.constant 3 : i32
        %ge3A_107 = arith.cmpi sge, %add3A_36, %ge3A_106 : i32
        %convert_element_type3A_108 = arith.extui %ge3A_107 : i1 to i32
        %cond3A_109 = arith.constant 0 : i32
        %cond3A_110 = arith.cmpi ne, %convert_element_type3A_108, %cond3A_109 : i32
        scf.if %cond3A_110 {
          %sub3A = arith.constant 2 : i32
          %sub3A_121 = arith.subi %add3A_36, %sub3A : i32
          %mul3A_122 = arith.constant 32 : i32
          %mul3A_123 = arith.muli %mul3A_122, %sub3A_121 : i32
          %add3A_124 = arith.addi %add3A, %mul3A_123 : i32
          %mul3A_125 = arith.constant 10240 : i32
          %mul3A_126 = arith.muli %add3A_124, %mul3A_125 : i32
          %dma_wait3A_127 = tpu.memref_slice %arg4[%mul3A_126] : memref<1280000xf32, #tpu.memory_space<hbm>> -> memref<10240xf32, #tpu.memory_space<hbm>>
          %dma_wait3A_128 = tpu.memref_slice %arg4[%mul3A_126] : memref<1280000xf32, #tpu.memory_space<hbm>> -> memref<10240xf32, #tpu.memory_space<hbm>>
          tpu.wait_dma2 semaphore(%arg16 : memref<!tpu.dma_semaphore, #tpu.memory_space<semaphore_mem>>) src(%arg12 : memref<10240xf32, #tpu.memory_space<vmem>>) dst(%dma_wait3A_128 : memref<10240xf32, #tpu.memory_space<hbm>>)
        } else {
        }
        %parallel_loop3A_111 = arith.constant 0 : i32
        %parallel_loop3A_112 = arith.constant 160 : i32
        %parallel_loop3A_113 = arith.constant 1 : i32
        scf.for %parallel_loop3A_121 = %parallel_loop3A_111 to %parallel_loop3A_112 step %parallel_loop3A_113  : i32 {
          %parallel_loop3A_122 = arith.constant 16 : i32
          %parallel_loop3A_123 = arith.muli %parallel_loop3A_121, %parallel_loop3A_122 : i32
          %parallel_loop3A_124 = arith.index_cast %parallel_loop3A_123 : i32 to index
          %parallel_loop3A_125 = tpu.vector_load %arg8[%parallel_loop3A_124] {strides = array<i32>} : memref<2560xi32, #tpu.memory_space<vmem>>, vector<16xi32>,
          %parallel_loop3A_126 = arith.constant 16 : i32
          %parallel_loop3A_127 = arith.muli %parallel_loop3A_121, %parallel_loop3A_126 : i32
          %parallel_loop3A_128 = arith.index_cast %parallel_loop3A_127 : i32 to index
          %parallel_loop3A_129 = tpu.vector_load %arg10[%parallel_loop3A_128] {strides = array<i32>} : memref<2560xi32, #tpu.memory_space<vmem>>, vector<16xi32>,
          %parallel_loop3A_130 = arith.constant 7 : i32
          %parallel_loop3A_131 = vector.broadcast %parallel_loop3A_130 : i32 to vector<16xi32>
          %parallel_loop3A_132 = arith.shrui %parallel_loop3A_125, %parallel_loop3A_131 : vector<16xi32>
          %parallel_loop3A_133 = arith.constant 1024 : i32
          %parallel_loop3A_134 = vector.broadcast %parallel_loop3A_133 : i32 to vector<16xi32>
          %parallel_loop3A_135 = arith.muli %parallel_loop3A_132, %parallel_loop3A_134 : vector<16xi32>
          %parallel_loop3A_136 = arith.constant 127 : i32
          %parallel_loop3A_137 = vector.broadcast %parallel_loop3A_136 : i32 to vector<16xi32>
          %parallel_loop3A_138 = arith.andi %parallel_loop3A_125, %parallel_loop3A_137 : vector<16xi32>
          %parallel_loop3A_139 = arith.addi %parallel_loop3A_135, %parallel_loop3A_138 : vector<16xi32>
          %parallel_loop3A_140 = arith.constant 7 : i32
          %parallel_loop3A_141 = vector.broadcast %parallel_loop3A_140 : i32 to vector<16xi32>
          %parallel_loop3A_142 = arith.shrui %parallel_loop3A_129, %parallel_loop3A_141 : vector<16xi32>
          %parallel_loop3A_143 = arith.constant 1024 : i32
          %parallel_loop3A_144 = vector.broadcast %parallel_loop3A_143 : i32 to vector<16xi32>
          %parallel_loop3A_145 = arith.muli %parallel_loop3A_142, %parallel_loop3A_144 : vector<16xi32>
          %parallel_loop3A_146 = arith.constant 127 : i32
          %parallel_loop3A_147 = vector.broadcast %parallel_loop3A_146 : i32 to vector<16xi32>
          %parallel_loop3A_148 = arith.andi %parallel_loop3A_129, %parallel_loop3A_147 : vector<16xi32>
          %parallel_loop3A_149 = arith.addi %parallel_loop3A_145, %parallel_loop3A_148 : vector<16xi32>
          %parallel_loop3A_150 = arith.constant 8 : i32
          %parallel_loop3A_151 = arith.divsi %parallel_loop3A_121, %parallel_loop3A_150 : i32
          %parallel_loop3A_152 = arith.constant 0 : i32
          %parallel_loop3A_153 = arith.cmpi sgt, %parallel_loop3A_121, %parallel_loop3A_152 : i32
          %parallel_loop3A_154 = arith.extui %parallel_loop3A_153 : i1 to i32
          %parallel_loop3A_155 = arith.constant 0 : i32
          %parallel_loop3A_156 = arith.cmpi slt, %parallel_loop3A_121, %parallel_loop3A_155 : i32
          %parallel_loop3A_157 = arith.extui %parallel_loop3A_156 : i1 to i32
          %parallel_loop3A_158 = arith.subi %parallel_loop3A_154, %parallel_loop3A_157 : i32
          %parallel_loop3A_159 = arith.constant 0 : i32
          %parallel_loop3A_160 = arith.cmpi sgt, %parallel_loop3A_150, %parallel_loop3A_159 : i32
          %parallel_loop3A_161 = arith.extui %parallel_loop3A_160 : i1 to i32
          %parallel_loop3A_162 = arith.constant 0 : i32
          %parallel_loop3A_163 = arith.cmpi slt, %parallel_loop3A_150, %parallel_loop3A_162 : i32
          %parallel_loop3A_164 = arith.extui %parallel_loop3A_163 : i1 to i32
          %parallel_loop3A_165 = arith.subi %parallel_loop3A_161, %parallel_loop3A_164 : i32
          %parallel_loop3A_166 = arith.cmpi ne, %parallel_loop3A_158, %parallel_loop3A_165 : i32
          %parallel_loop3A_167 = arith.remsi %parallel_loop3A_121, %parallel_loop3A_150 : i32
          %parallel_loop3A_168 = arith.constant 0 : i32
          %parallel_loop3A_169 = arith.cmpi ne, %parallel_loop3A_167, %parallel_loop3A_168 : i32
          %parallel_loop3A_170 = arith.andi %parallel_loop3A_166, %parallel_loop3A_169 : i1
          %parallel_loop3A_171 = arith.constant 1 : i32
          %parallel_loop3A_172 = arith.subi %parallel_loop3A_151, %parallel_loop3A_171 : i32
          %parallel_loop3A_173 = arith.select %parallel_loop3A_170, %parallel_loop3A_172, %parallel_loop3A_151 : i32
          %parallel_loop3A_174 = arith.constant 512 : i32
          %parallel_loop3A_175 = arith.muli %parallel_loop3A_173, %parallel_loop3A_174 : i32
          %parallel_loop3A_176 = arith.constant 8 : i32
          %parallel_loop3A_177 = arith.constant 0 : i32
          %parallel_loop3A_178 = arith.cmpi eq, %parallel_loop3A_176, %parallel_loop3A_177 : i32
          %parallel_loop3A_179 = arith.constant 1 : i32
          %parallel_loop3A_180 = arith.select %parallel_loop3A_178, %parallel_loop3A_179, %parallel_loop3A_176 : i32
          %parallel_loop3A_181 = arith.remsi %parallel_loop3A_121, %parallel_loop3A_180 : i32
          %parallel_loop3A_182 = arith.constant 0 : i32
          %parallel_loop3A_183 = arith.cmpi ne, %parallel_loop3A_181, %parallel_loop3A_182 : i32
          %parallel_loop3A_184 = arith.constant 0 : i32
          %parallel_loop3A_185 = arith.cmpi slt, %parallel_loop3A_181, %parallel_loop3A_184 : i32
          %parallel_loop3A_186 = arith.constant 0 : i32
          %parallel_loop3A_187 = arith.cmpi slt, %parallel_loop3A_180, %parallel_loop3A_186 : i32
          %parallel_loop3A_188 = arith.xori %parallel_loop3A_185, %parallel_loop3A_187 : i1
          %parallel_loop3A_189 = arith.andi %parallel_loop3A_188, %parallel_loop3A_183 : i1
          %parallel_loop3A_190 = arith.addi %parallel_loop3A_181, %parallel_loop3A_180 : i32
          %parallel_loop3A_191 = arith.select %parallel_loop3A_189, %parallel_loop3A_190, %parallel_loop3A_181 : i32
          %parallel_loop3A_192 = arith.constant 16 : i32
          %parallel_loop3A_193 = arith.muli %parallel_loop3A_191, %parallel_loop3A_192 : i32
          %parallel_loop3A_194 = arith.addi %parallel_loop3A_175, %parallel_loop3A_193 : i32
          %parallel_loop3A_195 = arith.constant 0 : i32
          %parallel_loop3A_196 = vector.broadcast %parallel_loop3A_195 : i32 to vector<16xi32>
          %parallel_loop3A_197 = arith.addi %parallel_loop3A_139, %parallel_loop3A_196 : vector<16xi32>
          %parallel_loop3A_198 = tpu.vector_load_idx %arg5[%parallel_loop3A_197] : memref<80896xf32, #tpu.memory_space<vmem>>[vector<16xi32>], vector<16xf32>,
          %parallel_loop3A_199 = arith.constant 512 : i32
          %parallel_loop3A_200 = vector.broadcast %parallel_loop3A_199 : i32 to vector<16xi32>
          %parallel_loop3A_201 = arith.addi %parallel_loop3A_149, %parallel_loop3A_200 : vector<16xi32>
          %parallel_loop3A_202 = tpu.vector_load_idx %arg5[%parallel_loop3A_201] : memref<80896xf32, #tpu.memory_space<vmem>>[vector<16xi32>], vector<16xf32>,
          %parallel_loop3A_203 = arith.addf %parallel_loop3A_198, %parallel_loop3A_202 : vector<16xf32>
          %parallel_loop3A_204 = arith.constant 0.000000e+00 : f32
          %parallel_loop3A_205 = vector.broadcast %parallel_loop3A_204 : f32 to vector<16xf32>
          %parallel_loop3A_206 = arith.maximumf %parallel_loop3A_203, %parallel_loop3A_205 : vector<16xf32>
          %parallel_loop3A_207 = arith.constant 0 : i32
          %parallel_loop3A_208 = arith.addi %parallel_loop3A_194, %parallel_loop3A_207 : i32
          %parallel_loop3A_209 = arith.index_cast %parallel_loop3A_208 : i32 to index
          %parallel_loop3A_210 = tpu.vector_load %arg12[%parallel_loop3A_209] {strides = array<i32>} : memref<10240xf32, #tpu.memory_space<vmem>>, vector<16xf32>,
          tpu.vector_store %arg12[%parallel_loop3A_209], %parallel_loop3A_206 {strides = array<i32>} : memref<10240xf32, #tpu.memory_space<vmem>>, vector<16xf32>,
          %parallel_loop3A_211 = arith.constant 128 : i32
          %parallel_loop3A_212 = vector.broadcast %parallel_loop3A_211 : i32 to vector<16xi32>
          %parallel_loop3A_213 = arith.addi %parallel_loop3A_139, %parallel_loop3A_212 : vector<16xi32>
          %parallel_loop3A_214 = tpu.vector_load_idx %arg5[%parallel_loop3A_213] : memref<80896xf32, #tpu.memory_space<vmem>>[vector<16xi32>], vector<16xf32>,
          %parallel_loop3A_215 = arith.constant 640 : i32
          %parallel_loop3A_216 = vector.broadcast %parallel_loop3A_215 : i32 to vector<16xi32>
          %parallel_loop3A_217 = arith.addi %parallel_loop3A_149, %parallel_loop3A_216 : vector<16xi32>
          %parallel_loop3A_218 = tpu.vector_load_idx %arg5[%parallel_loop3A_217] : memref<80896xf32, #tpu.memory_space<vmem>>[vector<16xi32>], vector<16xf32>,
          %parallel_loop3A_219 = arith.addf %parallel_loop3A_214, %parallel_loop3A_218 : vector<16xf32>
          %parallel_loop3A_220 = arith.constant 0.000000e+00 : f32
          %parallel_loop3A_221 = vector.broadcast %parallel_loop3A_220 : f32 to vector<16xf32>
          %parallel_loop3A_222 = arith.maximumf %parallel_loop3A_219, %parallel_loop3A_221 : vector<16xf32>
          %parallel_loop3A_223 = arith.constant 128 : i32
          %parallel_loop3A_224 = arith.addi %parallel_loop3A_194, %parallel_loop3A_223 : i32
          %parallel_loop3A_225 = arith.index_cast %parallel_loop3A_224 : i32 to index
          %parallel_loop3A_226 = tpu.vector_load %arg12[%parallel_loop3A_225] {strides = array<i32>} : memref<10240xf32, #tpu.memory_space<vmem>>, vector<16xf32>,
          tpu.vector_store %arg12[%parallel_loop3A_225], %parallel_loop3A_222 {strides = array<i32>} : memref<10240xf32, #tpu.memory_space<vmem>>, vector<16xf32>,
          %parallel_loop3A_227 = arith.constant 256 : i32
          %parallel_loop3A_228 = vector.broadcast %parallel_loop3A_227 : i32 to vector<16xi32>
          %parallel_loop3A_229 = arith.addi %parallel_loop3A_139, %parallel_loop3A_228 : vector<16xi32>
          %parallel_loop3A_230 = tpu.vector_load_idx %arg5[%parallel_loop3A_229] : memref<80896xf32, #tpu.memory_space<vmem>>[vector<16xi32>], vector<16xf32>,
          %parallel_loop3A_231 = arith.constant 768 : i32
          %parallel_loop3A_232 = vector.broadcast %parallel_loop3A_231 : i32 to vector<16xi32>
          %parallel_loop3A_233 = arith.addi %parallel_loop3A_149, %parallel_loop3A_232 : vector<16xi32>
          %parallel_loop3A_234 = tpu.vector_load_idx %arg5[%parallel_loop3A_233] : memref<80896xf32, #tpu.memory_space<vmem>>[vector<16xi32>], vector<16xf32>,
          %parallel_loop3A_235 = arith.addf %parallel_loop3A_230, %parallel_loop3A_234 : vector<16xf32>
          %parallel_loop3A_236 = arith.constant 0.000000e+00 : f32
          %parallel_loop3A_237 = vector.broadcast %parallel_loop3A_236 : f32 to vector<16xf32>
          %parallel_loop3A_238 = arith.maximumf %parallel_loop3A_235, %parallel_loop3A_237 : vector<16xf32>
          %parallel_loop3A_239 = arith.constant 256 : i32
          %parallel_loop3A_240 = arith.addi %parallel_loop3A_194, %parallel_loop3A_239 : i32
          %parallel_loop3A_241 = arith.index_cast %parallel_loop3A_240 : i32 to index
          %parallel_loop3A_242 = tpu.vector_load %arg12[%parallel_loop3A_241] {strides = array<i32>} : memref<10240xf32, #tpu.memory_space<vmem>>, vector<16xf32>,
          tpu.vector_store %arg12[%parallel_loop3A_241], %parallel_loop3A_238 {strides = array<i32>} : memref<10240xf32, #tpu.memory_space<vmem>>, vector<16xf32>,
          %parallel_loop3A_243 = arith.constant 384 : i32
          %parallel_loop3A_244 = vector.broadcast %parallel_loop3A_243 : i32 to vector<16xi32>
          %parallel_loop3A_245 = arith.addi %parallel_loop3A_139, %parallel_loop3A_244 : vector<16xi32>
          %parallel_loop3A_246 = tpu.vector_load_idx %arg5[%parallel_loop3A_245] : memref<80896xf32, #tpu.memory_space<vmem>>[vector<16xi32>], vector<16xf32>,
          %parallel_loop3A_247 = arith.constant 896 : i32
          %parallel_loop3A_248 = vector.broadcast %parallel_loop3A_247 : i32 to vector<16xi32>
          %parallel_loop3A_249 = arith.addi %parallel_loop3A_149, %parallel_loop3A_248 : vector<16xi32>
          %parallel_loop3A_250 = tpu.vector_load_idx %arg5[%parallel_loop3A_249] : memref<80896xf32, #tpu.memory_space<vmem>>[vector<16xi32>], vector<16xf32>,
          %parallel_loop3A_251 = arith.addf %parallel_loop3A_246, %parallel_loop3A_250 : vector<16xf32>
          %parallel_loop3A_252 = arith.constant 0.000000e+00 : f32
          %parallel_loop3A_253 = vector.broadcast %parallel_loop3A_252 : f32 to vector<16xf32>
          %parallel_loop3A_254 = arith.maximumf %parallel_loop3A_251, %parallel_loop3A_253 : vector<16xf32>
          %parallel_loop3A_255 = arith.constant 384 : i32
          %parallel_loop3A_256 = arith.addi %parallel_loop3A_194, %parallel_loop3A_255 : i32
          %parallel_loop3A_257 = arith.index_cast %parallel_loop3A_256 : i32 to index
          %parallel_loop3A_258 = tpu.vector_load %arg12[%parallel_loop3A_257] {strides = array<i32>} : memref<10240xf32, #tpu.memory_space<vmem>>, vector<16xf32>,
          tpu.vector_store %arg12[%parallel_loop3A_257], %parallel_loop3A_254 {strides = array<i32>} : memref<10240xf32, #tpu.memory_space<vmem>>, vector<16xf32>,
        } {sc.loop_unroll_factor = 4 : i64, sc.parallel_access}
        %mul3A_114 = arith.constant 32 : i32
        %mul3A_115 = arith.muli %mul3A_114, %add3A_36 : i32
        %add3A_116 = arith.addi %add3A, %mul3A_115 : i32
        %mul3A_117 = arith.constant 10240 : i32
        %mul3A_118 = arith.muli %add3A_116, %mul3A_117 : i32
        %dma_start3A_119 = tpu.memref_slice %arg4[%mul3A_118] : memref<1280000xf32, #tpu.memory_space<hbm>> -> memref<10240xf32, #tpu.memory_space<hbm>>
        %dma_start3A_120 = tpu.memref_slice %arg4[%mul3A_118] : memref<1280000xf32, #tpu.memory_space<hbm>> -> memref<10240xf32, #tpu.memory_space<hbm>>
        tpu.enqueue_dma source(%arg12 : memref<10240xf32, #tpu.memory_space<vmem>>) target(%dma_start3A_120 : memref<10240xf32, #tpu.memory_space<hbm>>) target_semaphore(%arg16 : memref<!tpu.dma_semaphore, #tpu.memory_space<semaphore_mem>>)
      } else {
      }
    }
    %scan3A_22 = arith.constant 2 : i32
    %add3A_23 = arith.constant 64 : i32
    %add3A_24 = arith.addi %add3A, %add3A_23 : i32
    %mul3A_25 = arith.constant 10240 : i32
    %mul3A_26 = arith.muli %add3A_24, %mul3A_25 : i32
    %dma_wait3A = tpu.memref_slice %arg4[%mul3A_26] : memref<1280000xf32, #tpu.memory_space<hbm>> -> memref<10240xf32, #tpu.memory_space<hbm>>
    %dma_wait3A_27 = tpu.memref_slice %arg4[%mul3A_26] : memref<1280000xf32, #tpu.memory_space<hbm>> -> memref<10240xf32, #tpu.memory_space<hbm>>
    tpu.wait_dma2 semaphore(%arg15 : memref<!tpu.dma_semaphore, #tpu.memory_space<semaphore_mem>>) src(%arg11 : memref<10240xf32, #tpu.memory_space<vmem>>) dst(%dma_wait3A_27 : memref<10240xf32, #tpu.memory_space<hbm>>)
    %add3A_28 = arith.constant 96 : i32
    %add3A_29 = arith.addi %add3A, %add3A_28 : i32
    %lt3A = arith.constant 125 : i32
    %lt3A_30 = arith.cmpi slt, %add3A_29, %lt3A : i32
    %convert_element_type3A = arith.extui %lt3A_30 : i1 to i32
    %cond3A = arith.constant 0 : i32
    %cond3A_31 = arith.cmpi ne, %convert_element_type3A, %cond3A : i32
    scf.if %cond3A_31 {
      %add3A_32 = arith.constant 96 : i32
      %add3A_33 = arith.addi %add3A, %add3A_32 : i32
      %mul3A_34 = arith.constant 10240 : i32
      %mul3A_35 = arith.muli %add3A_33, %mul3A_34 : i32
      %dma_wait3A_36 = tpu.memref_slice %arg4[%mul3A_35] : memref<1280000xf32, #tpu.memory_space<hbm>> -> memref<10240xf32, #tpu.memory_space<hbm>>
      %dma_wait3A_37 = tpu.memref_slice %arg4[%mul3A_35] : memref<1280000xf32, #tpu.memory_space<hbm>> -> memref<10240xf32, #tpu.memory_space<hbm>>
      tpu.wait_dma2 semaphore(%arg16 : memref<!tpu.dma_semaphore, #tpu.memory_space<semaphore_mem>>) src(%arg12 : memref<10240xf32, #tpu.memory_space<vmem>>) dst(%dma_wait3A_37 : memref<10240xf32, #tpu.memory_space<hbm>>)
    } else {
    }
    return
  }
}

module attributes {stable_mosaic.version = 14 : i64} {
  func.func @_mm_body(%arg0: memref<256x4xf32, #tpu.memory_space<vmem>>, %arg1: memref<10000x128xf32, #tpu.memory_space<vmem>>, %arg2: memref<8x10112xf32, #tpu.memory_space<vmem>>) attributes {dimension_semantics = [], scalar_prefetch = 0 : i64, scratch_operands = 0 : i64, tpu.core_type = #tpu.core_type<tc>} {
    %get3A = arith.constant 0 : index
    %get3A_0 = arith.constant 0 : index
    %get3A_1 = vector.load %arg1[%get3A, %get3A_0] : memref<10000x128xf32, #tpu.memory_space<vmem>>, vector<10000x128xf32>
    %get3A_2 = arith.constant 0 : index
    %get3A_3 = arith.constant 0 : index
    %get3A_4 = vector.load %arg0[%get3A_2, %get3A_3] : memref<256x4xf32, #tpu.memory_space<vmem>>, vector<128x4xf32>
    %dot_general3A = arith.constant dense<0.000000e+00> : vector<4x10000xf32>
    %dot_general3A_5 = tpu.matmul %get3A_4, %get3A_1, %dot_general3A {dimension_numbers = #tpu.dot_dimension_numbers<[0], [1], [1], [0], [0, 1, 1, 0], [], []>, transpose_lhs_hint = false} : vector<128x4xf32>, vector<10000x128xf32>, vector<4x10000xf32> -> vector<4x10000xf32>
    %swap3A = arith.constant 0 : index
    %swap3A_6 = arith.constant 0 : index
    %swap3A_7 = vector.load %arg2[%swap3A, %swap3A_6] : memref<8x10112xf32, #tpu.memory_space<vmem>>, vector<4x10000xf32>
    tpu.vector_store %arg2[%swap3A, %swap3A_6], %dot_general3A_5 {strides = array<i32>} : memref<8x10112xf32, #tpu.memory_space<vmem>>, vector<4x10000xf32>,
    %get3A_8 = arith.constant 128 : index
    %get3A_9 = arith.constant 0 : index
    %get3A_10 = vector.load %arg0[%get3A_8, %get3A_9] : memref<256x4xf32, #tpu.memory_space<vmem>>, vector<128x4xf32>
    %dot_general3A_11 = arith.constant dense<0.000000e+00> : vector<4x10000xf32>
    %dot_general3A_12 = tpu.matmul %get3A_10, %get3A_1, %dot_general3A_11 {dimension_numbers = #tpu.dot_dimension_numbers<[0], [1], [1], [0], [0, 1, 1, 0], [], []>, transpose_lhs_hint = false} : vector<128x4xf32>, vector<10000x128xf32>, vector<4x10000xf32> -> vector<4x10000xf32>
    %swap3A_13 = arith.constant 4 : index
    %swap3A_14 = arith.constant 0 : index
    %swap3A_15 = vector.load %arg2[%swap3A_13, %swap3A_14] : memref<8x10112xf32, #tpu.memory_space<vmem>>, vector<4x10000xf32>
    tpu.vector_store %arg2[%swap3A_13, %swap3A_14], %dot_general3A_12 {strides = array<i32>} : memref<8x10112xf32, #tpu.memory_space<vmem>>, vector<4x10000xf32>,
    return
  }
}

</mosaic_0001>

<sc_bundles>
// kernel: kernel.4.cloned.1.call-start
scs
__scs_entry_jumppad:
0x0: {  	(pc) =	sbr.rel $0x88, $3  }
0x1: {  	(tag) =	ssettag $0x0;
	lr =	simm.s32 $0x1  }
0x2: {  	[smem:$0x3F9E] =	sst lr;
	_ =	strace $0xD0000000  }
0x3: {  	_ = 	snop  }
0x4: {  	_ = 	snop  }
0x5: {  	_ = 	snop  }
0x6: {  	_ = 	snop  }
0x7: {  	_ = 	snop  }
__scs_overlays_trampoline_lowered:
0x8: {  	[smem:$0x3FAD] =	sst s0  }
0x9: {  	[smem:$0x3FAE] =	sst s1  }
0xa: {  	[smem:$0x3FAF] =	sst s2  }
0xb: {  	[smem:$0x3FB0] =	sst s3  }
0xc: {  	[smem:$0x3FB1] =	sst s4  }
0xd: {  	[smem:$0x3FB2] =	sst s5  }
0xe: {  	[smem:$0x3FB3] =	sst s6  }
0xf: {  	[smem:$0x3FB4] =	sst s7  }
0x10: {  	[smem:$0x3FB5] =	sst s8  }
0x11: {  	[smem:$0x3FB6] =	sst s9;
	s0 =	simm.s32 @!p0 $0x0  }
0x12: {  	s1 =	sld [smem:$0x3F9C];
	s0 =	simm.s32 @p0 $0x1  }
0x13: {  	[smem:$0x3FB7] =	sst s0;
	s0 =	simm.s32 @!p1 $0x0  }
0x14: {  	s2 =	sld [smem:$0x3F9B];
	s0 =	simm.s32 @p1 $0x1  }
0x15: {  	[smem:$0x3FB8] =	sst s0;
	s0 =	simm.s32 @!p2 $0x0  }
0x16: {  	s3 =	sld [smem:$0x3FDB];
	s0 =	simm.s32 @p2 $0x1  }
0x17: {  	s4 =	simm.s32 $0x1BF5;
	[smem:$0x3FBA] =	sst s0  }
0x18: {  	s0 =	sld [smem:$0x3F9D];
	_ =	swait.ge [sflag:s4], $0x0  }
0x19: {  	s7 =	sld [smem:$0x3F9E]  }
0x1a: {  	s8 =	sadd.s32 $0xFFFFE003, lr  }
0x1b: {  	s9 =	sadd.s32 $0xFFFFFEF7, lr;
	s5 =	simm.s32 $0xFFFFFFFF;
	p2 =	slt.u32 s8, $0xFFFFF086  }
0x1c: {  	p1 =	slt.u32 s9, $0xF7A;
	s5 =	simm.s32 @!p2 $0x0  }
0x1d: {  	s5 =	simm.s32 @p1 $0x1;
	p0 =	seq.s32 s7, s2  }
0x1e: {  	s7 =	smul.u32 @!p0 $0xF7A, s2;
	p2 =	seq.s32 @!p0 s5, $0x0  }
0x1f: {  	s9 =	smul.u32 $0xF7A, s1;
	s8 =	simm.s32 @!p0 $0x1BF5;
	p2 =	por !p2, p0  }
0x20: {  	[sflag:s8] =	ssyncset.s32 @!p0 $0xFFFFF086;
	s6 =	sadd.s32 @!p0 s3, s7;
	s7 =	simm.s32 @!p0 $0x108  }
0x21: {  	s3 =	sadd.s32 s3, s9;
	s6 =	sadd.s32 @!p0 $0x88, s6;
	s7 =	simm.s32 @p2 $0x1082  }
0x22: {  	[simem:s7], [sflag:s8] =	dma.local @!p0 [hbm:s6], $0xF7A  }
0x23: {  	s9 =	sor.u32 $0xD0000000, s2;
	s6 =	simm.s32 $0x108;
	_ =	swait.ge @!p0 [sflag:s8], $0x0  }
0x24: {  	s3 =	sadd.s32 $0x88, s3;
	s6 =	simm.s32 @!p1 $0x1082;
	[sflag:s4] =	ssyncset.s32 $0xFFFFF086  }
0x25: {  	[simem:s6], [sflag:s4] =	dma.local [hbm:s3], $0xF7A  }
0x26: {  	[smem:$0x3F9E] =	sst s1;
	(tag) =	ssettag s2;
	_ =	strace s9  }
0x27: {  	s1 =	sld [smem:$0x3FAE]  }
0x28: {  	s2 =	sld [smem:$0x3FAF]  }
0x29: {  	s4 =	sld [smem:$0x3FB1]  }
0x2a: {  	p0 =	seq.s32 s5, $0x0;
	s5 =	sld [smem:$0x3FB2]  }
0x2b: {  	s6 =	sld [smem:$0x3FB3]  }
0x2c: {  	s7 =	sld [smem:$0x3FB4]  }
0x2d: {  	s3 =	simm.s32 $0x108;
	s8 =	sld [smem:$0x3FB5]  }
0x2e: {  	s3 =	simm.s32 @!p0 $0x1082;
	s9 =	sld [smem:$0x3FB6]  }
0x2f: {  	lr =	sadd.s32 s0, s3;
	s0 =	sld [smem:$0x3FAD]  }
0x30: {  	s3 =	sld [smem:$0x3FB0]  }
0x31: {  	[smem:$0x3FB9] =	sst s10  }
0x32: {  	s10 =	sld [smem:$0x3FB7];
	_ =	sdelay $0x3  }
0x33: {  	p0 =	seq.s32 s10, $0x1;
	s10 =	sld [smem:$0x3FB9];
	_ =	sdelay $0x3  }
0x34: {  	[smem:$0x3FB9] =	sst s10  }
0x35: {  	s10 =	sld [smem:$0x3FB8];
	_ =	sdelay $0x3  }
0x36: {  	p1 =	seq.s32 s10, $0x1;
	s10 =	sld [smem:$0x3FB9];
	_ =	sdelay $0x3  }
0x37: {  	[smem:$0x3FB9] =	sst s10  }
0x38: {  	s10 =	sld [smem:$0x3FBA]  }
0x39: {  	_ = 	snop;
	(pc) =	sbr.ind lr, $3  }
0x3a: {  	_ = 	snop  }
0x3b: {  	_ = 	snop  }
0x3c: {  	p2 =	seq.s32 s10, $0x1;
	s10 =	sld [smem:$0x3FB9]  }
0x3d: {  	_ =	shalt  }
0x3e: {  	_ =	shalt  }
0x3f: {  	_ =	shalt  }
0x40: {  	_ =	shalt  }
0x41: {  	_ =	shalt  }
0x42: {  	_ =	shalt  }
0x43: {  	_ =	shalt  }
0x44: {  	_ =	shalt  }
0x45: {  	_ =	shalt  }
0x46: {  	_ =	shalt  }
0x47: {  	_ =	shalt  }
0x48: {  	_ =	shalt  }
0x49: {  	_ =	shalt  }
0x4a: {  	_ =	shalt  }
0x4b: {  	_ =	shalt  }
0x4c: {  	_ =	shalt  }
0x4d: {  	_ =	shalt  }
0x4e: {  	_ =	shalt  }
0x4f: {  	_ =	shalt  }
0x50: {  	_ =	shalt  }
0x51: {  	_ =	shalt  }
0x52: {  	_ =	shalt  }
0x53: {  	_ =	shalt  }
0x54: {  	_ =	shalt  }
0x55: {  	_ =	shalt  }
0x56: {  	_ =	shalt  }
0x57: {  	_ =	shalt  }
0x58: {  	_ =	shalt  }
0x59: {  	_ =	shalt  }
0x5a: {  	_ =	shalt  }
0x5b: {  	_ =	shalt  }
0x5c: {  	_ =	shalt  }
0x5d: {  	_ =	shalt  }
0x5e: {  	_ =	shalt  }
0x5f: {  	_ =	shalt  }
0x60: {  	_ =	shalt  }
0x61: {  	_ =	shalt  }
0x62: {  	_ =	shalt  }
0x63: {  	_ =	shalt  }
0x64: {  	_ =	shalt  }
0x65: {  	_ =	shalt  }
0x66: {  	_ =	shalt  }
0x67: {  	_ =	shalt  }
0x68: {  	_ =	shalt  }
0x69: {  	_ =	shalt  }
0x6a: {  	_ =	shalt  }
0x6b: {  	_ =	shalt  }
0x6c: {  	_ =	shalt  }
0x6d: {  	_ =	shalt  }
0x6e: {  	_ =	shalt  }
0x6f: {  	_ =	shalt  }
0x70: {  	_ =	shalt  }
0x71: {  	_ =	shalt  }
0x72: {  	_ =	shalt  }
0x73: {  	_ =	shalt  }
0x74: {  	_ =	shalt  }
0x75: {  	_ =	shalt  }
0x76: {  	_ =	shalt  }
0x77: {  	_ =	shalt  }
0x78: {  	_ =	shalt  }
0x79: {  	_ =	shalt  }
0x7a: {  	_ =	shalt  }
0x7b: {  	_ =	shalt  }
0x7c: {  	_ =	shalt  }
0x7d: {  	_ =	shalt  }
0x7e: {  	_ =	shalt  }
0x7f: {  	_ =	shalt  }
0x80: {  	_ =	shalt  }
0x81: {  	_ =	shalt  }
0x82: {  	_ =	shalt  }
0x83: {  	_ =	shalt  }
0x84: {  	_ =	shalt  }
0x85: {  	_ =	shalt  }
0x86: {  	_ =	shalt  }
0x87: {  	_ =	shalt  }
.Lfunc_end0:
.L_simem_size_0:
called_computation_lowered:
.L_overlay_start_0:
0x88: {  	s2 =	sld [smem:$0x3FD9]  }
0x89: {  	s3 =	sld [smem:$0x3FFE];
	_ =	sdelay $0x1  }
0x8a: {  	s1 =	srdreg.scid  }
0x8b: {  	s0 =	sand.u32 $0x1, s1  }
0x8c: {  	s17 =	sshll.u32 s0, $0xA;
	s2 =	sadd.s32 s3, s2  }
0x8d: {  	s2 =	sadd.s32 s2, s17  }
0x8e: {  	[smem:$0x3FC5] =	sst s2  }
0x8f: {  	_ = 	snop  }
0x90: {  	s2 =	sld [smem:$0x3FC8]  }
0x91: {  	s18 =	sld [smem:$0x3FD0];
	(tm) =	ssettm $0x1  }
0x92: {  	s4 =	sld [smem:$0x3FFB];
	_ =	sdelay $0x3  }
0x93: {  	_ =	strace s4  }
0x94: {  	s4 =	sld [smem:$0x3FFC];
	_ =	sdelay $0x3  }
0x95: {  	_ =	strace s4  }
0x96: {  	s4 =	sld [smem:$0x3FFD];
	_ =	sdelay $0x3  }
0x97: {  	_ =	strace s4  }
0x98: {  	_ =	strace $0x8FFFFFFF  }
0x99: {  	s19 =	sld [smem:$0x3FDB];
	_ =	sdelay $0x1  }
0x9a: {  	s5 =	simm.s32 $_scs_section_size  }
0x9b: {  	s6 =	simm.s32 $_size__tile_overlayer_lowered;
	s7 =	simm.s32 $_tile_overlayer_lowered  }
0x9c: {  	s22 =	simm.s32 $0x1BFF;
	s21 =	sshll.u32 s7, $0x1;
	s4 =	sadd.s32 s5, s19  }
0x9d: {  	s8 =	simm.s32 $0x0;
	s20 =	sshll.u32 s6, $0x1;
	s6 =	sadd.s32 s21, s4  }
0x9e: {  	[timem:s8], [sflag:s22] =	dma.local [hbm:s6], s20  }
0x9f: {  	_ =	swait.ge [sflag:s22], s20  }
0xa0: {  	s5 =	ssub.s32 $0x0, s20;
	[sflag:s22] =	ssyncset.done $0x0  }
0xa1: {  	[sflag:s22] =	ssyncadd.s32 s5;
	_ =	sdelay $0x1  }
0xa2: {  	s23 =	simm.s32 $0x1B8B  }
0xa3: {  	_ =	swait.ge [sflag:s23], $0x1  }
0xa4: {  	[sflag:s23] =	ssyncset.done $0x0  }
0xa5: {  	s25 =	simm.s32 $0x1B8E;
	s24 =	sld [smem:$0x3FFE];
	[sflag:s23] =	ssyncadd.s32 $0xFFFFFFFF  }
0xa6: {  	s26 =	simm.s32 $execute0_lowered;
	[smem:$0x3FD2] =	sst s25  }
0xa7: {  	s6 =	sshll.u32 s26, $0x1;
	_ =	strace $0x80000046;
	[dreg:$0x1] =	wrdreg $0xFFFFFFFF  }
0xa8: {  	s28 =	simm.s32 $_size_execute0_lowered;
	s4 =	sadd.s32 s4, s6;
	[dreg:$0x0] =	wrdreg $0x0  }
0xa9: {  	s6 =	sshll.u32 s28, $0x1;
	[dreg:$0x2] =	wrdreg s4  }
0xaa: {  	[dreg:$0x3] =	wrdreg s6  }
0xab: {  	[dreg:$0x4] =	wrdreg $0xC0  }
0xac: {  	_ =	task [dreg:s8], $0x5FFFF  }
0xad: {  	[dreg:$0x1] =	wrdreg $0xFFFFFFFF  }
0xae: {  	[dreg:$0x0] =	wrdreg $0x60  }
0xaf: {  	[dreg:$0x2] =	wrdreg s24  }
0xb0: {  	[dreg:$0x3] =	wrdreg s2  }
0xb1: {  	[dreg:$0x4] =	wrdreg s18  }
0xb2: {  	[dreg:$0x5] =	wrdreg $0x13C000  }
0xb3: {  	[dreg:$0x6] =	wrdreg $0x9  }
0xb4: {  	_ =	task.clear_ibuf [dreg:s8], $0x7FFFF;
	_ =	strace $0x90000046  }
0xb5: {  	s29 =	simm.s32 $0x9;
	_ =	strace $0x80000048  }
0xb6: {  	_ =	swait.ge [sflag:s29], $0x1  }
0xb7: {  	[sflag:s29] =	ssyncadd.s32 $0xFFFFFFFF  }
0xb8: {  	_ =	strace $0x90000048  }
0xb9: {  	_ =	sfence  }
0xba: {  	s30 =	sld [smem:$0x0];
	_ =	sdelay $0x2  }
0xbb: {  	s31 =	sshll.u32 s1, $0xD;
	s1 =	sshrl.u32 s1, $0x2  }
0xbc: {  	s3 =	sand.u32 $0x4000, s31;
	s1 =	sadd.s32 s1, s30  }
0xbd: {  	s0 =	sor.u32 s3, s0;
	s1 =	sshll.u32 s1, $0x11  }
0xbe: {  	s0 =	sor.u32 s1, s0  }
0xbf: {  	s0 =	sadd.s32 $0x8F2B, s0  }
0xc0: {  	[sflag:s0] =	ssyncadd.remote.s32 $0x1  }
0xc1: {  	_ =	sfence.sel $0xFFFF  }
0xc2: {  	[dreg:$0x0] =	wrdreg $0xFFFFFFFF;
	(pc) =	sbr.abs _section_cstart, $3  }
0xc3: {  	[dreg:$0x1] =	wrdreg $0xFFFFFFFF  }
0xc4: {  	_ =	task.clear_ibuf [dreg:s8], $0x2FFFF;
	_ =	strace $0x9FFFFFFF  }
0xc5: {  	(tm) =	ssettm $0x7FFFFFFF  }
tec
execute0_lowered:
.L_overlay_start_1:
0x0: {  	(tag) =	ssettag $0x1  }
0x1: {  	s0 =	rddreg [dreg:$0x0]  }
0x2: {  	s1 =	rddreg [dreg:$0x1]  }
0x3: {  	s2 =	rddreg [dreg:$0x2]  }
0x4: {  	s10 =	rddreg [dreg:$0x3];
	s5 =	simm.s32 $0x0;
	s6 =	stileid.u32  }
0x5: {  	s3 =	srdreg.scid;
	s18 =	simm.s32 $0x177C0;
	s19 =	simm.s32 $0x5  }
0x6: {  	s20 =	simm.s32 $0x1;
	s21 =	simm.s32 $0x2;
	s22 =	simm.s32 $0x19FC0  }
0x7: {  	s23 =	simm.s32 $0x3;
	s24 =	simm.s32 $0x0;
	[smem:$0x7FF] =	sst s5  }
0x8: {  	s4 =	smul.u32 $0x13C0, s6;
	s3 =	sand.u32 $0x1, s3;
	s6 =	sshll.u32 s6, $0x1  }
0x9: {  	_ =	strace $0x80000047;
	s7 =	ssub.s32 $0x2, s3;
	s6 =	sor.u32 s3, s6  }
0xa: {  	s26 =	sshrl.u32 s4, $0x3;
	s8 =	sshrl.u32 s7, $0x1;
	s9 =	smul.u32 $0x280, s6  }
.Ltmp0:
0xb: {  	s31 =	sadd.s32 s4, s10;
	s28 =	ssub.s32 s7, s8;
	(pc) =	sbr.rel .LBB2_1-.Ltmp0, $4  }
0xc: {  	s7 =	sadd.s32 $0x10, s1;
	[dreg:$0x8] =	wrdreg s31;
	s29 =	sadd.s32 s1, s9  }
0xd: {  	s0 =	sadd.s32 s26, s0;
	s30 =	sadd.s32 s9, s7;
	[dreg:$0x5] =	wrdreg s29  }
0xe: {  	s12 =	sor.u32 $0x40, s6;
	s0 =	sadd.s32 $0x800, s0;
	[dreg:$0x6] =	wrdreg s30  }
0xf: {  	p0 =	sgt.u32 s6, $0x1C;
	s13 =	smax.u32 s28, $0x1;
	[dreg:$0x7] =	wrdreg s0  }
.LBB2_9:
0x10: {  	s24 =	sadd.s32 $0x1, s24  }
0x11: {  	_ =	swait.ge [sflag:s23], $0x2800;
	p1 =	sne.s32 s24, s13  }
.Ltmp1:
0x12: {  	[sflag:s23] =	ssyncset.done $0x0;
	(pc) =	sbr.rel @!p1 .LBB2_10-.Ltmp1, $4  }
0x13: {  	s0 =	simm.s32 @!p0 $0x4;
	[sflag:s23] =	ssyncadd.s32 $0xFFFFD800  }
0x14: {  	_ =	swait.ge @!p0 [sflag:s0], $0x2800  }
0x15: {  	[sflag:s0] =	ssyncset.done @!p0 $0x0  }
0x16: {  	[sflag:s0] =	ssyncadd.s32 @!p0 $0xFFFFD800  }
.LBB2_1:
0x17: {  	s0 =	rddreg [dreg:$0x5]  }
0x18: {  	s3 =	simm.s32 $0x80;
	s4 =	simm.s32 $0x100;
	s8 =	simm.s32 $0x14FC0  }
0x19: {  	[tilespmem:s8], [sflag:$0x1] =	stream.strided.gather [hbm4b:s0+s3], $0xA00, s4, s3, $0x38;
	[tilespmem:$0x1C7C0] =	vst v63  }
0x1a: {  	s26 =	rddreg [dreg:$0x6];
	s28 =	simm.s32 $0x163C0  }
0x1b: {  	[tilespmem:s28], [sflag:$0x1] =	stream.strided.gather [hbm4b:s26+s3], $0xA00, s4, s3, $0x38;
	[tilespmem:$0x1C7C0] =	vst v63  }
0x1c: {  	s29 =	rddreg [dreg:$0x7]  }
0x1d: {  	[tilespmem:s18], [sflag:$0x5] =	stream.linear.gather [hbm4b:s29+s5], $0x13C0, $0x38;
	[tilespmem:$0x1C7C0] =	vst v63  }
0x1e: {  	_ =	swait.ge [sflag:s19], $0x13C0  }
0x1f: {  	[sflag:s19] =	ssyncset.done $0x0  }
0x20: {  	s30 =	rddreg [dreg:$0x8];
	[sflag:s19] =	ssyncadd.s32 $0xFFFFEC40  }
0x21: {  	[spmem:s30] =	stream.linear.scatter [tilespmem:s18], [sflag:$0x5], $0x13C0, $0x38;
	[tilespmem:$0x1C7C0] =	vst v63  }
0x22: {  	_ =	swait.ge [sflag:s19], $0x13C0  }
0x23: {  	[sflag:s19] =	ssyncset.done $0x0  }
0x24: {  	[sflag:s19] =	ssyncadd.s32 $0xFFFFEC40  }
0x25: {  	[bflag:$0x0] =	sbarrier.arrive $0xFFFF  }
.Ltmp2:
0x26: {  	s31 =	rddreg [dreg:$0x3];
	(pc) =	sbr.rel .LBB2_2-.Ltmp2, $4  }
0x27: {  	[tilespmem:s5], [sflag:$0x5] =	stream.linear.gather [spmem:s31], $0x13C00, $0x38;
	[tilespmem:$0x1C7C0] =	vst v63  }
0x28: {  	_ =	swait.ge [sflag:s19], $0x13C00  }
0x29: {  	[sflag:s19] =	ssyncset.done $0x0  }
0x2a: {  	p3 =	por $0x1, $0x1;
	s26 =	simm.s32 $0x0;
	[sflag:s19] =	ssyncadd.s32 $0xFFFEC400  }
.LBB2_8:
.Ltmp3:
0x2b: {  	(pc) =	sbr.rel @!p1 .LBB2_9-.Ltmp3, $2  }
0x2c: {  	_ =	sdelay $0x2  }
0x2d: {  	s26 =	simm.s32 $0x40;
	p3 =	por $0x0, $0x0  }
.LBB2_2:
0x2e: {  	s28 =	sor.u32 s26, s6  }
0x2f: {  	s25 =	sor.u32 $0x20, s28  }
0x30: {  	p2 =	sgt.u32 s25, $0x7C  }
0x31: {  	s0 =	smul.u32 @!p2 $0x280, s25  }
0x32: {  	s4 =	simm.s32 @!p2 $0x80  }
0x33: {  	s14 =	simm.s32 @!p2 $0x100;
	s15 =	simm.s32 @!p2 $0x159C0;
	s3 =	sadd.s32 @!p2 s1, s0  }
0x34: {  	[tilespmem:s15], [sflag:$0x2] =	stream.strided.gather @!p2 [hbm4b:s3+s4], $0xA00, s14, s4, $0x38;
	[tilespmem:$0x1C7C0] =	vst v63  }
0x35: {  	s0 =	sadd.s32 @!p2 s0, s7;
	s3 =	simm.s32 @!p2 $0x16DC0  }
0x36: {  	[tilespmem:s3], [sflag:$0x2] =	stream.strided.gather @!p2 [hbm4b:s0+s4], $0xA00, s14, s4, $0x38;
	[tilespmem:$0x1C7C0] =	vst v63  }
0x37: {  	_ =	swait.ge [sflag:s20], $0xA00  }
0x38: {  	[sflag:s20] =	ssyncset.done $0x0  }
0x39: {  	[sflag:s20] =	ssyncadd.s32 $0xFFFFF600  }
0x3a: {  	_ =	swait.ge [sflag:s20], $0xA00  }
0x3b: {  	[sflag:s20] =	ssyncset.done $0x0  }
0x3c: {  	s0 =	simm.s32 @!p3 $0x3;
	[sflag:s20] =	ssyncadd.s32 $0xFFFFF600  }
0x3d: {  	_ =	swait.ge @!p3 [sflag:s0], $0x2800  }
0x3e: {  	[sflag:s0] =	ssyncset.done @!p3 $0x0  }
0x3f: {  	s9 =	simm.s32 $0x0;
	[sflag:s0] =	ssyncadd.s32 @!p3 $0xFFFFD800  }
0x40: {  	v0 =	vld [tilespmem:s9+$0x14FF0]  }
0x41: {  	v1 =	vld [tilespmem:s9+$0x163F0];
	_ =	sdelay $0x4  }
0x42: {  	v7 =	vld [tilespmem:s9+$0x163E0];
	v2 =	vshll.u32 v0, $0x3;
	v0 =	vand.u32 $0x7F, v0;
	v3 =	vshll.u32 v1, $0x3  }
0x43: {  	v8 =	vld [tilespmem:s9+$0x14FC0];
	v1 =	vand.u32 $0x7F, v1;
	v2 =	vand.u32 $0xFFFFFC00, v2;
	v3 =	vand.u32 $0xFFFFFC00, v3  }
0x44: {  	v4 =	vld [tilespmem:s9+$0x163C0];
	v5 =	vor.u32 v0, v2;
	v6 =	vor.u32 v1, v3  }
0x45: {  	v0 =	vld [tilespmem:s9+$0x163D0];
	v1 =	vor.u32 $0x200, v6;
	_ =	sdelay $0x2  }
0x46: {  	v10 =	vshll.u32 v7, $0x3;
	v13 =	vshll.u32 v8, $0x3  }
0x47: {  	v7 =	vand.u32 $0x7F, v7;
	v8 =	vand.u32 $0x7F, v8;
	v2 =	vshll.u32 v4, $0x3;
	v9 =	vld.idx.msk [tilespmem:v5+s5+$0x0], $0xffff  }
0x48: {  	v10 =	vand.u32 $0xFFFFFC00, v10;
	v2 =	vand.u32 $0xFFFFFC00, v2;
	v3 =	vshll.u32 v0, $0x3;
	v1 =	vld.idx.msk [tilespmem:v1+s5+$0x0], $0xffff  }
0x49: {  	v11 =	vld [tilespmem:s9+$0x14FD0];
	v0 =	vand.u32 $0x7F, v0;
	v12 =	vand.u32 $0xFFFFFC00, v3;
	v3 =	vand.u32 $0x7F, v4  }
0x4a: {  	v3 =	vor.u32 v3, v2;
	v2 =	vor.u32 v0, v12;
	v12 =	vand.u32 $0xFFFFFC00, v13  }
0x4b: {  	v12 =	vor.u32 v8, v12;
	v8 =	vor.u32 v7, v10;
	v10 =	vor.u32 $0x200, v2  }
0x4c: {  	s10 =	simm.s32 $0x0;
	v4 =	vld [tilespmem:s9+$0x14FE0];
	v0 =	vor.u32 $0x80, v5  }
0x4d: {  	s11 =	sand.u32 $0x3E00, s10;
	s14 =	simm.s32 $0x30;
	v1 =	vadd.f32 v1, v9;
	v9 =	vor.u32 $0x280, v6  }
0x4e: {  	s3 =	sand.u32 $0x70, s14;
	s0 =	sadd.s32 $0x177C0, s11;
	v14 =	vshll.u32 v11, $0x3;
	v13 =	vor.u32 $0x200, v3  }
0x4f: {  	s3 =	sadd.s32 s3, s0;
	v11 =	vand.u32 $0x7F, v11;
	v7 =	vand.u32 $0xFFFFFC00, v14;
	v1 =	vmax.f32 v1, $0.0e+00  }
0x50: {  	v11 =	vor.u32 v11, v7;
	v10 =	vld.idx.msk [tilespmem:v10+s5+$0x0], $0xffff;
	[tilespmem:s3+$0x0] =	vst v1  }
0x51: {  	v1 =	vshll.u32 v4, $0x3;
	v0 =	vld.idx.msk [tilespmem:v0+s5+$0x0], $0xffff  }
0x52: {  	v4 =	vand.u32 $0x7F, v4;
	v1 =	vand.u32 $0xFFFFFC00, v1;
	v7 =	vld.idx.msk [tilespmem:v9+s5+$0x0], $0xffff  }
0x53: {  	v14 =	vor.u32 $0x200, v8;
	v9 =	vor.u32 v4, v1;
	v1 =	vld.idx.msk [tilespmem:v13+s5+$0x0], $0xffff  }
0x54: {  	v4 =	vld.idx.msk [tilespmem:v12+s5+$0x0], $0xffff  }
0x55: {  	s15 =	simm.s32 $0x40;
	v15 =	vld.idx.msk [tilespmem:v11+s5+$0x0], $0xffff  }
0x56: {  	v23 =	vld [tilespmem:s15+$0x163D0]  }
0x57: {  	v26 =	vld [tilespmem:s15+$0x163E0]  }
0x58: {  	v13 =	vld.idx.msk [tilespmem:v14+s5+$0x0], $0xffff;
	v14 =	vor.u32 $0x100, v5;
	v0 =	vadd.f32 v7, v0  }
0x59: {  	v7 =	vor.u32 $0x300, v6;
	v1 =	vadd.f32 v1, v4;
	v4 =	vld [tilespmem:s15+$0x14FF0]  }
0x5a: {  	s4 =	sand.u32 $0x40, s10;
	v10 =	vadd.f32 v10, v15;
	v17 =	vld.idx.msk [tilespmem:v9+s5+$0x0], $0xffff;
	v0 =	vmax.f32 v0, $0.0e+00  }
0x5b: {  	s29 =	sadd.s32 s4, s0;
	v1 =	vmax.f32 v1, $0.0e+00;
	[tilespmem:s3+$0x80] =	vst v0;
	v0 =	vld [tilespmem:s15+$0x163F0]  }
0x5c: {  	v16 =	vor.u32 $0x80, v12;
	[tilespmem:s29+$0x0] =	vst v1;
	v1 =	vmax.f32 v10, $0.0e+00;
	v10 =	vld [tilespmem:s15+$0x163C0]  }
0x5d: {  	s16 =	simm.s32 $0x10;
	v29 =	vshll.u32 v23, $0x3;
	v31 =	vshll.u32 v26, $0x3;
	v18 =	vor.u32 $0x280, v3;
	v14 =	vld.idx.msk [tilespmem:v14+s5+$0x0], $0xffff  }
0x5e: {  	s4 =	sand.u32 $0x50, s16;
	v23 =	vand.u32 $0x7F, v23;
	v29 =	vand.u32 $0xFFFFFC00, v29;
	v7 =	vld.idx.msk [tilespmem:v7+s5+$0x0], $0xffff;
	v24 =	vshll.u32 v4, $0x3  }
0x5f: {  	s30 =	sadd.s32 s4, s0;
	v15 =	vor.u32 $0x80, v11;
	v4 =	vand.u32 $0x7F, v4;
	v24 =	vand.u32 $0xFFFFFC00, v24  }
0x60: {  	v30 =	vld [tilespmem:s15+$0x14FE0];
	v20 =	vor.u32 $0x80, v9;
	[tilespmem:s30+$0x0] =	vst v1;
	v1 =	vor.u32 v4, v24;
	v25 =	vshll.u32 v0, $0x3  }
0x61: {  	v16 =	vld.idx.msk [tilespmem:v16+s5+$0x0], $0xffff;
	v4 =	vadd.f32 v13, v17;
	v0 =	vand.u32 $0x7F, v0;
	v25 =	vand.u32 $0xFFFFFC00, v25  }
0x62: {  	s17 =	simm.s32 $0x20;
	v18 =	vld.idx.msk [tilespmem:v18+s5+$0x0], $0xffff;
	v28 =	vshll.u32 v10, $0x3;
	v10 =	vand.u32 $0x7F, v10;
	v0 =	vor.u32 v0, v25  }
0x63: {  	s4 =	sand.u32 $0x60, s17;
	v28 =	vand.u32 $0xFFFFFC00, v28;
	v7 =	vadd.f32 v7, v14;
	v25 =	vld [tilespmem:s15+$0x14FD0];
	v14 =	vor.u32 $0x200, v0  }
0x64: {  	s31 =	sadd.s32 s4, s0;
	v5 =	vor.u32 $0x180, v5;
	v13 =	vld.idx.msk [tilespmem:v15+s5+$0x0], $0xffff;
	v4 =	vmax.f32 v4, $0.0e+00;
	v28 =	vor.u32 v10, v28  }
0x65: {  	v33 =	vshll.u32 v30, $0x3;
	v29 =	vor.u32 v23, v29;
	v24 =	vld [tilespmem:s15+$0x14FC0];
	[tilespmem:s31+$0x0] =	vst v4;
	v23 =	vor.u32 $0x200, v28  }
0x66: {  	v33 =	vand.u32 $0xFFFFFC00, v33;
	v6 =	vor.u32 $0x380, v6;
	v20 =	vld.idx.msk [tilespmem:v20+s5+$0x0], $0xffff;
	v7 =	vmax.f32 v7, $0.0e+00  }
0x67: {  	v19 =	vor.u32 $0x280, v2;
	v21 =	vor.u32 $0x280, v8;
	v32 =	vld.idx.msk [tilespmem:v1+s5+$0x0], $0xffff;
	[tilespmem:s3+$0x100] =	vst v7;
	v7 =	vand.u32 $0xFFFFFC00, v31  }
0x68: {  	v4 =	vshll.u32 v25, $0x3;
	v25 =	vand.u32 $0x7F, v25;
	v10 =	vld.idx.msk [tilespmem:v14+s5+$0x0], $0xffff;
	v14 =	vand.u32 $0x7F, v26  }
0x69: {  	v5 =	vld.idx.msk [tilespmem:v5+s5+$0x0], $0xffff;
	v4 =	vand.u32 $0xFFFFFC00, v4;
	v31 =	vor.u32 v14, v7;
	v7 =	vor.u32 $0x200, v29  }
0x6a: {  	v27 =	vor.u32 $0x300, v3;
	v35 =	vld.idx.msk [tilespmem:v23+s5+$0x0], $0xffff;
	v23 =	vand.u32 $0x7F, v30;
	v30 =	vor.u32 v25, v4  }
0x6b: {  	v22 =	vor.u32 $0x100, v12;
	v37 =	vor.u32 $0x300, v8;
	v26 =	vld.idx.msk [tilespmem:v6+s5+$0x0], $0xffff;
	v33 =	vor.u32 v23, v33  }
0x6c: {  	s4 =	simm.s32 $0x100;
	v34 =	vor.u32 $0x80, v1;
	v59 =	vor.u32 $0x280, v0;
	v6 =	vshll.u32 v24, $0x3;
	v14 =	vld.idx.msk [tilespmem:v19+s5+$0x0], $0xffff  }
0x6d: {  	s8 =	simm.s32 $0x70;
	s0 =	sand.u32 $0x3E00, s4;
	v21 =	vld.idx.msk [tilespmem:v21+s5+$0x0], $0xffff;
	v24 =	vand.u32 $0x7F, v24;
	v6 =	vand.u32 $0xFFFFFC00, v6;
	v10 =	vadd.f32 v10, v32  }
0x6e: {  	s10 =	sand.u32 $0x70, s8;
	s9 =	sadd.s32 $0x177C0, s0;
	v15 =	vor.u32 $0x100, v11;
	v17 =	vor.u32 $0x300, v2;
	v24 =	vor.u32 v24, v6;
	v25 =	vld.idx.msk [tilespmem:v7+s5+$0x0], $0xffff  }
0x6f: {  	s0 =	sadd.s32 s10, s9;
	v2 =	vor.u32 $0x380, v2;
	v19 =	vor.u32 $0x200, v31;
	v40 =	vld.idx.msk [tilespmem:v30+s5+$0x0], $0xffff;
	v4 =	vmax.f32 v10, $0.0e+00  }
0x70: {  	v41 =	vor.u32 $0x280, v28;
	v61 =	vor.u32 $0x300, v0;
	v7 =	vor.u32 $0x380, v3;
	v42 =	vld.idx.msk [tilespmem:v33+s5+$0x0], $0xffff;
	[tilespmem:s0+$0x0] =	vst v4  }
0x71: {  	v3 =	vor.u32 $0x380, v8;
	v8 =	vadd.f32 v14, v13;
	v10 =	vadd.f32 v26, v5;
	v26 =	vld.idx.msk [tilespmem:v34+s5+$0x0], $0xffff  }
0x72: {  	v6 =	vor.u32 $0x180, v12;
	v4 =	vor.u32 $0x180, v11;
	v11 =	vadd.f32 v18, v16;
	v32 =	vld.idx.msk [tilespmem:v59+s5+$0x0], $0xffff  }
0x73: {  	v12 =	vor.u32 $0x100, v9;
	v38 =	vld.idx.msk [tilespmem:v24+s5+$0x0], $0xffff;
	v60 =	vmax.f32 v10, $0.0e+00;
	v10 =	vmax.f32 v8, $0.0e+00  }
0x74: {  	v23 =	vor.u32 $0x80, v30;
	v36 =	vld.idx.msk [tilespmem:v19+s5+$0x0], $0xffff;
	v5 =	vor.u32 $0x180, v9;
	v9 =	vmax.f32 v11, $0.0e+00;
	[tilespmem:s30+$0x80] =	vst v10  }
0x75: {  	v39 =	vor.u32 $0x80, v24;
	v14 =	vor.u32 $0x180, v24;
	[tilespmem:s29+$0x80] =	vst v9;
	v9 =	vadd.f32 v21, v20;
	v43 =	vld.idx.msk [tilespmem:v15+s5+$0x0], $0xffff  }
0x76: {  	v19 =	vor.u32 $0x80, v33;
	v16 =	vor.u32 $0x280, v29;
	v21 =	vor.u32 $0x100, v1;
	v20 =	vld.idx.msk [tilespmem:v22+s5+$0x0], $0xffff  }
0x77: {  	v18 =	vor.u32 $0x280, v31;
	v27 =	vld.idx.msk [tilespmem:v27+s5+$0x0], $0xffff;
	v13 =	vmax.f32 v9, $0.0e+00;
	v22 =	vadd.f32 v32, v26  }
0x78: {  	s4 =	simm.s32 $0x40;
	v8 =	vor.u32 $0x100, v24;
	v11 =	vor.u32 $0x300, v28;
	v44 =	vld.idx.msk [tilespmem:v17+s5+$0x0], $0xffff;
	v15 =	vadd.f32 v35, v38;
	[tilespmem:s31+$0x80] =	vst v13  }
0x79: {  	s16 =	sand.u32 $0x40, s4;
	v10 =	vor.u32 $0x100, v30;
	[tilespmem:s3+$0x180] =	vst v60;
	v62 =	vadd.f32 v25, v40;
	v24 =	vld.idx.msk [tilespmem:v12+s5+$0x0], $0xffff;
	v17 =	vmax.f32 v22, $0.0e+00  }
0x7a: {  	s11 =	simm.s32 $0x50;
	s3 =	sadd.s32 s16, s9;
	v63 =	vadd.f32 v36, v42;
	v9 =	vor.u32 $0x300, v29;
	v15 =	vmax.f32 v15, $0.0e+00;
	v25 =	vld.idx.msk [tilespmem:v37+s5+$0x0], $0xffff;
	[tilespmem:s0+$0x80] =	vst v17  }
0x7b: {  	s17 =	simm.s32 $0x60;
	s15 =	sand.u32 $0x50, s11;
	v13 =	vor.u32 $0x100, v33;
	v12 =	vor.u32 $0x300, v31;
	[tilespmem:s3+$0x0] =	vst v15;
	v15 =	vmax.f32 v62, $0.0e+00;
	v26 =	vld.idx.msk [tilespmem:v21+s5+$0x0], $0xffff  }
0x7c: {  	s17 =	sand.u32 $0x60, s17;
	s16 =	sadd.s32 s15, s9;
	v22 =	vor.u32 $0x380, v28;
	v21 =	vor.u32 $0x180, v30;
	v28 =	vld.idx.msk [tilespmem:v61+s5+$0x0], $0xffff;
	v30 =	vadd.f32 v27, v20  }
0x7d: {  	s17 =	sadd.s32 s17, s9;
	[tilespmem:s16+$0x0] =	vst v15;
	v15 =	vor.u32 $0x380, v31;
	v20 =	vor.u32 $0x380, v29;
	v29 =	vmax.f32 v63, $0.0e+00;
	v27 =	vld.idx.msk [tilespmem:v39+s5+$0x0], $0xffff  }
0x7e: {  	p1 =	por p3, p3;
	s14 =	simm.s32 $0x4;
	s15 =	simm.s32 $0x200;
	v17 =	vor.u32 $0x180, v33;
	[tilespmem:s17+$0x0] =	vst v29;
	v29 =	vld.idx.msk [tilespmem:v41+s5+$0x0], $0xffff;
	v31 =	vmax.f32 v30, $0.0e+00;
	v30 =	vadd.f32 v44, v43  }
.LBB2_3:
0x7f: {  	s8 =	sshra.s32 s15, $0x2;
	v32 =	vld.idx.msk [tilespmem:v23+s5+$0x0], $0xffff;
	[tilespmem:s29+$0x100] =	vst v31  }
0x80: {  	v24 =	vadd.f32 v25, v24;
	v23 =	vld [tilespmem:s8+$0x14FF0];
	v30 =	vmax.f32 v30, $0.0e+00  }
0x81: {  	v1 =	vor.u32 $0x180, v1;
	v25 =	vld [tilespmem:s8+$0x163F0];
	[tilespmem:s30+$0x100] =	vst v30  }
0x82: {  	v0 =	vor.u32 $0x380, v0;
	v26 =	vadd.f32 v28, v26;
	v24 =	vmax.f32 v24, $0.0e+00;
	v30 =	vld [tilespmem:s8+$0x163C0]  }
0x83: {  	s14 =	sadd.s32 $0x4, s14;
	v28 =	vld [tilespmem:s8+$0x163D0];
	[tilespmem:s31+$0x100] =	vst v24  }
0x84: {  	p3 =	slt.u32 s14, $0x9C;
	v27 =	vadd.f32 v29, v27;
	v26 =	vmax.f32 v26, $0.0e+00;
	v24 =	vld [tilespmem:s8+$0x163E0]  }
0x85: {  	v29 =	vld [tilespmem:s8+$0x14FC0];
	[tilespmem:s0+$0x100] =	vst v26  }
0x86: {  	v26 =	vshll.u32 v23, $0x3;
	v23 =	vand.u32 $0x7F, v23;
	v31 =	vshll.u32 v25, $0x3;
	v33 =	vld.idx.msk [tilespmem:v1+s5+$0x0], $0xffff  }
0x87: {  	v1 =	vand.u32 $0xFFFFFC00, v26;
	v25 =	vand.u32 $0x7F, v25;
	v26 =	vand.u32 $0xFFFFFC00, v31;
	v31 =	vld.idx.msk [tilespmem:v0+s5+$0x0], $0xffff  }
0x88: {  	v34 =	vshll.u32 v30, $0x3;
	v1 =	vor.u32 v23, v1;
	v35 =	vld [tilespmem:s8+$0x14FD0];
	v0 =	vor.u32 v25, v26  }
0x89: {  	v23 =	vshll.u32 v28, $0x3;
	v25 =	vld [tilespmem:s8+$0x14FE0];
	v26 =	vshll.u32 v24, $0x3;
	v36 =	vor.u32 $0x200, v0  }
0x8a: {  	v34 =	vand.u32 $0xFFFFFC00, v34;
	v23 =	vand.u32 $0xFFFFFC00, v23;
	v26 =	vand.u32 $0xFFFFFC00, v26;
	v37 =	vld.idx.msk [tilespmem:v16+s5+$0x0], $0xffff  }
0x8b: {  	v30 =	vand.u32 $0x7F, v30;
	v28 =	vand.u32 $0x7F, v28;
	v16 =	vshll.u32 v29, $0x3;
	v38 =	vld.idx.msk [tilespmem:v19+s5+$0x0], $0xffff  }
0x8c: {  	v30 =	vor.u32 v30, v34;
	v28 =	vor.u32 v28, v23;
	v19 =	vand.u32 $0x7F, v24;
	v24 =	vld.idx.msk [tilespmem:v18+s5+$0x0], $0xffff  }
0x8d: {  	v26 =	vor.u32 v19, v26;
	v23 =	vadd.f32 v31, v33;
	v18 =	vshll.u32 v35, $0x3;
	v19 =	vld.idx.msk [tilespmem:v1+s5+$0x0], $0xffff  }
0x8e: {  	v16 =	vand.u32 $0xFFFFFC00, v16;
	v18 =	vand.u32 $0xFFFFFC00, v18;
	v31 =	vshll.u32 v25, $0x3;
	v33 =	vld.idx.msk [tilespmem:v36+s5+$0x0], $0xffff  }
0x8f: {  	v29 =	vand.u32 $0x7F, v29;
	v23 =	vmax.f32 v23, $0.0e+00;
	v31 =	vand.u32 $0xFFFFFC00, v31;
	v34 =	vld.idx.msk [tilespmem:v6+s5+$0x0], $0xffff;
	v6 =	vmovc v14  }
0x90: {  	v35 =	vand.u32 $0x7F, v35;
	v25 =	vand.u32 $0x7F, v25;
	v14 =	vor.u32 $0x200, v30;
	[tilespmem:s0+$0x180] =	vst v23;
	v36 =	vld.idx.msk [tilespmem:v7+s5+$0x0], $0xffff;
	v7 =	vmovc v22  }
0x91: {  	v39 =	vor.u32 $0x200, v26;
	v22 =	vor.u32 v29, v16;
	v29 =	vor.u32 $0x200, v28;
	v40 =	vld.idx.msk [tilespmem:v4+s5+$0x0], $0xffff;
	v4 =	vmovc v21  }
0x92: {  	v35 =	vor.u32 v35, v18;
	v25 =	vor.u32 v25, v31;
	v41 =	vor.u32 $0x80, v22;
	v31 =	vld.idx.msk [tilespmem:v2+s5+$0x0], $0xffff;
	v2 =	vmovc v20  }
0x93: {  	s4 =	sadd.s32 $0x40, s4;
	v42 =	vor.u32 $0x280, v30;
	v23 =	vor.u32 $0x80, v35;
	v20 =	vor.u32 $0x80, v1;
	v43 =	vld.idx.msk [tilespmem:v5+s5+$0x0], $0xffff;
	v5 =	vmovc v17  }
0x94: {  	s9 =	sadd.s32 $0x30, s4;
	s8 =	sadd.s32 $0x10, s4;
	s0 =	sand.u32 $0x3E00, s15;
	v16 =	vor.u32 $0x280, v28;
	v21 =	vor.u32 $0x280, v0;
	v17 =	vadd.f32 v33, v19;
	v33 =	vld.idx.msk [tilespmem:v3+s5+$0x0], $0xffff;
	v3 =	vmovc v15  }
0x95: {  	s9 =	sand.u32 $0x70, s9;
	v18 =	vor.u32 $0x280, v26;
	s10 =	sadd.s32 $0x177C0, s0;
	s0 =	sadd.s32 $0x20, s4;
	v19 =	vor.u32 $0x80, v25;
	v44 =	vld.idx.msk [tilespmem:v14+s5+$0x0], $0xffff;
	v14 =	vadd.f32 v37, v32  }
0x96: {  	s8 =	sand.u32 $0x50, s8;
	v24 =	vadd.f32 v24, v38;
	s11 =	sand.u32 $0x60, s0;
	s0 =	sadd.s32 s9, s10;
	v15 =	vmax.f32 v17, $0.0e+00;
	v17 =	vmax.f32 v27, $0.0e+00;
	v29 =	vld.idx.msk [tilespmem:v29+s5+$0x0], $0xffff  }
0x97: {  	s9 =	sand.u32 $0x40, s4;
	s8 =	sadd.s32 s8, s10;
	s11 =	sadd.s32 s11, s10;
	v27 =	vor.u32 $0x100, v22;
	v32 =	vor.u32 $0x300, v30;
	v37 =	vld.idx.msk [tilespmem:v39+s5+$0x0], $0xffff;
	[tilespmem:s0+$0x0] =	vst v15;
	v15 =	vmax.f32 v14, $0.0e+00  }
0x98: {  	v38 =	vor.u32 $0x100, v35;
	s9 =	sadd.s32 s9, s10;
	v39 =	vor.u32 $0x300, v28;
	v45 =	vld.idx.msk [tilespmem:v20+s5+$0x0], $0xffff;
	[tilespmem:s3+$0x80] =	vst v17;
	v17 =	vmax.f32 v24, $0.0e+00  }
0x99: {  	v47 =	vor.u32 $0x300, v26;
	v46 =	vor.u32 $0x100, v25;
	v14 =	vor.u32 $0x180, v22;
	v24 =	vld.idx.msk [tilespmem:v21+s5+$0x0], $0xffff;
	[tilespmem:s16+$0x80] =	vst v15  }
0x9a: {  	v20 =	vor.u32 $0x380, v28;
	v21 =	vor.u32 $0x180, v35;
	v48 =	vld.idx.msk [tilespmem:v22+s5+$0x0], $0xffff;
	v22 =	vor.u32 $0x380, v30;
	[tilespmem:s17+$0x80] =	vst v17  }
0x9b: {  	v15 =	vor.u32 $0x380, v26;
	v26 =	vadd.f32 v36, v34;
	v17 =	vor.u32 $0x180, v25;
	v28 =	vld.idx.msk [tilespmem:v35+s5+$0x0], $0xffff  }
0x9c: {  	v30 =	vadd.f32 v31, v40;
	v31 =	vadd.f32 v33, v43;
	v25 =	vld.idx.msk [tilespmem:v25+s5+$0x0], $0xffff  }
0x9d: {  	v26 =	vmax.f32 v26, $0.0e+00;
	v33 =	vld.idx.msk [tilespmem:v8+s5+$0x0], $0xffff;
	v8 =	vmov v27  }
0x9e: {  	v27 =	vor.u32 $0x100, v1;
	v34 =	vld.idx.msk [tilespmem:v11+s5+$0x0], $0xffff;
	[tilespmem:s29+$0x180] =	vst v26;
	v26 =	vmax.f32 v30, $0.0e+00;
	v30 =	vmax.f32 v31, $0.0e+00;
	v11 =	vmovc v32;
	s29 =	smov.u32 s3;
	s3 =	smov.u32 s9  }
0x9f: {  	v24 =	vadd.f32 v24, v45;
	v31 =	vor.u32 $0x300, v0;
	v32 =	vld.idx.msk [tilespmem:v10+s5+$0x0], $0xffff;
	[tilespmem:s30+$0x180] =	vst v26;
	v10 =	vmov v38;
	s30 =	smov.u32 s16;
	s16 =	smov.u32 s8  }
0xa0: {  	v26 =	vadd.f32 v44, v48;
	v35 =	vld.idx.msk [tilespmem:v9+s5+$0x0], $0xffff;
	[tilespmem:s31+$0x180] =	vst v30;
	v9 =	vmov v39;
	s31 =	smov.u32 s17;
	s17 =	smov.u32 s11  }
0xa1: {  	v28 =	vadd.f32 v29, v28;
	v29 =	vmax.f32 v24, $0.0e+00;
	v24 =	vld.idx.msk [tilespmem:v13+s5+$0x0], $0xffff;
	v13 =	vmov v46  }
.Ltmp4:
0xa2: {  	v26 =	vmax.f32 v26, $0.0e+00;
	v30 =	vadd.f32 v37, v25;
	[tilespmem:s0+$0x80] =	vst v29;
	v25 =	vld.idx.msk [tilespmem:v12+s5+$0x0], $0xffff;
	v12 =	vmov v47;
	(pc) =	sbr.rel @p3 .LBB2_3-.Ltmp4, $4  }
0xa3: {  	v28 =	vmax.f32 v28, $0.0e+00;
	[tilespmem:s3+$0x0] =	vst v26;
	v26 =	vld.idx.msk [tilespmem:v27+s5+$0x0], $0xffff  }
0xa4: {  	v29 =	vmax.f32 v30, $0.0e+00;
	v30 =	vadd.f32 v34, v33;
	[tilespmem:s16+$0x0] =	vst v28;
	v28 =	vld.idx.msk [tilespmem:v31+s5+$0x0], $0xffff  }
0xa5: {  	v27 =	vld.idx.msk [tilespmem:v41+s5+$0x0], $0xffff;
	[tilespmem:s17+$0x0] =	vst v29  }
0xa6: {  	s15 =	sadd.s32 $0x100, s15;
	v31 =	vmax.f32 v30, $0.0e+00;
	v30 =	vadd.f32 v35, v32;
	v29 =	vld.idx.msk [tilespmem:v42+s5+$0x0], $0xffff  }
0xa7: {  	_ =	sdelay $0x3  }
0xa8: {  	v23 =	vld.idx.msk [tilespmem:v23+s5+$0x0], $0xffff  }
0xa9: {  	v16 =	vld.idx.msk [tilespmem:v16+s5+$0x0], $0xffff  }
0xaa: {  	v19 =	vld.idx.msk [tilespmem:v19+s5+$0x0], $0xffff  }
0xab: {  	v18 =	vld.idx.msk [tilespmem:v18+s5+$0x0], $0xffff;
	[tilespmem:s29+$0x100] =	vst v31  }
0xac: {  	v6 =	vld.idx.msk [tilespmem:v6+s5+$0x0], $0xffff;
	v46 =	vmax.f32 v30, $0.0e+00;
	v43 =	vadd.f32 v29, v27  }
0xad: {  	v7 =	vld.idx.msk [tilespmem:v7+s5+$0x0], $0xffff;
	[tilespmem:s30+$0x100] =	vst v46  }
0xae: {  	v4 =	vld.idx.msk [tilespmem:v4+s5+$0x0], $0xffff;
	v16 =	vadd.f32 v16, v23;
	v44 =	vmax.f32 v43, $0.0e+00  }
0xaf: {  	v2 =	vld.idx.msk [tilespmem:v2+s5+$0x0], $0xffff;
	[tilespmem:s3+$0x80] =	vst v44  }
0xb0: {  	v18 =	vadd.f32 v18, v19;
	v16 =	vmax.f32 v16, $0.0e+00;
	v8 =	vld.idx.msk [tilespmem:v8+s5+$0x0], $0xffff  }
0xb1: {  	[tilespmem:s16+$0x80] =	vst v16;
	v11 =	vld.idx.msk [tilespmem:v11+s5+$0x0], $0xffff  }
0xb2: {  	v47 =	vadd.f32 v25, v24;
	v45 =	vmax.f32 v18, $0.0e+00;
	v10 =	vld.idx.msk [tilespmem:v10+s5+$0x0], $0xffff  }
0xb3: {  	v1 =	vor.u32 $0x180, v1;
	[tilespmem:s17+$0x80] =	vst v45;
	v9 =	vld.idx.msk [tilespmem:v9+s5+$0x0], $0xffff  }
0xb4: {  	v0 =	vor.u32 $0x380, v0;
	v26 =	vadd.f32 v28, v26;
	v48 =	vmax.f32 v47, $0.0e+00;
	v13 =	vld.idx.msk [tilespmem:v13+s5+$0x0], $0xffff  }
0xb5: {  	[tilespmem:s31+$0x100] =	vst v48;
	v12 =	vld.idx.msk [tilespmem:v12+s5+$0x0], $0xffff  }
0xb6: {  	v26 =	vmax.f32 v26, $0.0e+00;
	v5 =	vld.idx.msk [tilespmem:v5+s5+$0x0], $0xffff;
	v8 =	vadd.f32 v11, v8  }
0xb7: {  	v3 =	vld.idx.msk [tilespmem:v3+s5+$0x0], $0xffff;
	[tilespmem:s0+$0x100] =	vst v26  }
0xb8: {  	v1 =	vld.idx.msk [tilespmem:v1+s5+$0x0], $0xffff;
	v9 =	vadd.f32 v9, v10;
	v8 =	vmax.f32 v8, $0.0e+00  }
0xb9: {  	v0 =	vld.idx.msk [tilespmem:v0+s5+$0x0], $0xffff;
	[tilespmem:s3+$0x100] =	vst v8  }
0xba: {  	v50 =	vadd.f32 v12, v13;
	v49 =	vmax.f32 v9, $0.0e+00;
	v51 =	vld.idx.msk [tilespmem:v14+s5+$0x0], $0xffff  }
0xbb: {  	[tilespmem:s16+$0x100] =	vst v49;
	v52 =	vld.idx.msk [tilespmem:v22+s5+$0x0], $0xffff  }
0xbc: {  	v9 =	vmax.f32 v50, $0.0e+00;
	v53 =	vld.idx.msk [tilespmem:v21+s5+$0x0], $0xffff  }
0xbd: {  	[tilespmem:s17+$0x100] =	vst v9;
	v54 =	vld.idx.msk [tilespmem:v20+s5+$0x0], $0xffff  }
0xbe: {  	v6 =	vadd.f32 v7, v6;
	v55 =	vld.idx.msk [tilespmem:v17+s5+$0x0], $0xffff  }
0xbf: {  	v2 =	vadd.f32 v2, v4;
	v56 =	vld.idx.msk [tilespmem:v15+s5+$0x0], $0xffff  }
0xc0: {  	v58 =	vmax.f32 v6, $0.0e+00;
	v0 =	vadd.f32 v0, v1  }
0xc1: {  	v57 =	vadd.f32 v3, v5;
	[tilespmem:s29+$0x180] =	vst v58;
	v2 =	vmax.f32 v2, $0.0e+00  }
0xc2: {  	[tilespmem:s30+$0x180] =	vst v2;
	v0 =	vmax.f32 v0, $0.0e+00;
	v59 =	vadd.f32 v52, v51  }
0xc3: {  	[tilespmem:s0+$0x180] =	vst v0;
	v0 =	vmax.f32 v57, $0.0e+00;
	v60 =	vadd.f32 v54, v53  }
0xc4: {  	[tilespmem:s31+$0x180] =	vst v0;
	v61 =	vadd.f32 v56, v55;
	v62 =	vmax.f32 v59, $0.0e+00  }
0xc5: {  	s31 =	smul.u32 $0x500, s28;
	[tilespmem:s3+$0x180] =	vst v62;
	v63 =	vmax.f32 v60, $0.0e+00;
	s3 =	sadd.s32 s12, s26  }
0xc6: {  	v0 =	vmax.f32 v61, $0.0e+00;
	[tilespmem:s16+$0x180] =	vst v63;
	p3 =	sgt.u32 s3, $0x7C  }
0xc7: {  	s0 =	sadd.s32 s2, s31;
	[tilespmem:s17+$0x180] =	vst v0;
	s3 =	smul.u32 @!p3 $0x280, s3  }
0xc8: {  	[hbm4b:s0+s5] =	stream.linear.scatter [tilespmem:s18], [sflag:$0x3], $0x2800, $0x38;
	[tilespmem:$0x1C7C0] =	vst v63  }
.Ltmp5:
0xc9: {  	s4 =	simm.s32 @!p3 $0x80;
	(pc) =	sbr.rel @p2 .LBB2_8-.Ltmp5, $4  }
0xca: {  	s8 =	simm.s32 @!p3 $0x100;
	s9 =	simm.s32 @!p3 $0x14FC0;
	s0 =	sadd.s32 @!p3 s1, s3  }
0xcb: {  	[tilespmem:s9], [sflag:$0x1] =	stream.strided.gather @!p3 [hbm4b:s0+s4], $0xA00, s8, s4, $0x38;
	[tilespmem:$0x1C7C0] =	vst v63  }
0xcc: {  	s0 =	sadd.s32 @!p3 s3, s7;
	s3 =	simm.s32 @!p3 $0x163C0  }
0xcd: {  	[tilespmem:s3], [sflag:$0x1] =	stream.strided.gather @!p3 [hbm4b:s0+s4], $0xA00, s8, s4, $0x38;
	[tilespmem:$0x1C7C0] =	vst v63  }
0xce: {  	_ =	swait.ge [sflag:s21], $0xA00  }
0xcf: {  	[sflag:s21] =	ssyncset.done $0x0  }
0xd0: {  	[sflag:s21] =	ssyncadd.s32 $0xFFFFF600  }
0xd1: {  	_ =	swait.ge [sflag:s21], $0xA00  }
0xd2: {  	[sflag:s21] =	ssyncset.done $0x0  }
0xd3: {  	s0 =	simm.s32 @!p1 $0x4;
	[sflag:s21] =	ssyncadd.s32 $0xFFFFF600  }
0xd4: {  	_ =	swait.ge @!p1 [sflag:s0], $0x2800  }
0xd5: {  	[sflag:s0] =	ssyncset.done @!p1 $0x0  }
0xd6: {  	s9 =	simm.s32 $0x0;
	[sflag:s0] =	ssyncadd.s32 @!p1 $0xFFFFD800  }
0xd7: {  	v0 =	vld [tilespmem:s9+$0x159F0]  }
0xd8: {  	v1 =	vld [tilespmem:s9+$0x16DF0];
	_ =	sdelay $0x4  }
0xd9: {  	v7 =	vld [tilespmem:s9+$0x16DE0];
	v2 =	vshll.u32 v0, $0x3;
	v0 =	vand.u32 $0x7F, v0;
	v3 =	vshll.u32 v1, $0x3  }
0xda: {  	v8 =	vld [tilespmem:s9+$0x159C0];
	v1 =	vand.u32 $0x7F, v1;
	v2 =	vand.u32 $0xFFFFFC00, v2;
	v3 =	vand.u32 $0xFFFFFC00, v3  }
0xdb: {  	v4 =	vld [tilespmem:s9+$0x16DC0];
	v5 =	vor.u32 v0, v2;
	v6 =	vor.u32 v1, v3  }
0xdc: {  	v0 =	vld [tilespmem:s9+$0x16DD0];
	v1 =	vor.u32 $0x200, v6;
	_ =	sdelay $0x2  }
0xdd: {  	v10 =	vshll.u32 v7, $0x3;
	v13 =	vshll.u32 v8, $0x3  }
0xde: {  	v7 =	vand.u32 $0x7F, v7;
	v8 =	vand.u32 $0x7F, v8;
	v2 =	vshll.u32 v4, $0x3;
	v9 =	vld.idx.msk [tilespmem:v5+s5+$0x0], $0xffff  }
0xdf: {  	v10 =	vand.u32 $0xFFFFFC00, v10;
	v2 =	vand.u32 $0xFFFFFC00, v2;
	v3 =	vshll.u32 v0, $0x3;
	v1 =	vld.idx.msk [tilespmem:v1+s5+$0x0], $0xffff  }
0xe0: {  	v11 =	vld [tilespmem:s9+$0x159D0];
	v0 =	vand.u32 $0x7F, v0;
	v12 =	vand.u32 $0xFFFFFC00, v3;
	v3 =	vand.u32 $0x7F, v4  }
0xe1: {  	v3 =	vor.u32 v3, v2;
	v2 =	vor.u32 v0, v12;
	v12 =	vand.u32 $0xFFFFFC00, v13  }
0xe2: {  	v12 =	vor.u32 v8, v12;
	v8 =	vor.u32 v7, v10;
	v10 =	vor.u32 $0x200, v2  }
0xe3: {  	s4 =	simm.s32 $0x0;
	v4 =	vld [tilespmem:s9+$0x159E0];
	v0 =	vor.u32 $0x80, v5  }
0xe4: {  	s3 =	simm.s32 $0x30;
	s10 =	sand.u32 $0x3E00, s4;
	v1 =	vadd.f32 v1, v9;
	v9 =	vor.u32 $0x280, v6  }
0xe5: {  	s3 =	sand.u32 $0x70, s3;
	s0 =	sadd.s32 $0x19FC0, s10;
	v14 =	vshll.u32 v11, $0x3;
	v13 =	vor.u32 $0x200, v3  }
0xe6: {  	s3 =	sadd.s32 s3, s0;
	v11 =	vand.u32 $0x7F, v11;
	v7 =	vand.u32 $0xFFFFFC00, v14;
	v1 =	vmax.f32 v1, $0.0e+00  }
0xe7: {  	v11 =	vor.u32 v11, v7;
	v10 =	vld.idx.msk [tilespmem:v10+s5+$0x0], $0xffff;
	[tilespmem:s3+$0x0] =	vst v1  }
0xe8: {  	v1 =	vshll.u32 v4, $0x3;
	v0 =	vld.idx.msk [tilespmem:v0+s5+$0x0], $0xffff  }
0xe9: {  	v4 =	vand.u32 $0x7F, v4;
	v1 =	vand.u32 $0xFFFFFC00, v1;
	v7 =	vld.idx.msk [tilespmem:v9+s5+$0x0], $0xffff  }
0xea: {  	v14 =	vor.u32 $0x200, v8;
	v9 =	vor.u32 v4, v1;
	v1 =	vld.idx.msk [tilespmem:v13+s5+$0x0], $0xffff  }
0xeb: {  	v4 =	vld.idx.msk [tilespmem:v12+s5+$0x0], $0xffff  }
0xec: {  	s8 =	simm.s32 $0x40;
	v15 =	vld.idx.msk [tilespmem:v11+s5+$0x0], $0xffff  }
0xed: {  	v23 =	vld [tilespmem:s8+$0x16DD0]  }
0xee: {  	v26 =	vld [tilespmem:s8+$0x16DE0]  }
0xef: {  	v13 =	vld.idx.msk [tilespmem:v14+s5+$0x0], $0xffff;
	v14 =	vor.u32 $0x100, v5;
	v0 =	vadd.f32 v7, v0  }
0xf0: {  	v7 =	vor.u32 $0x300, v6;
	v1 =	vadd.f32 v1, v4;
	v4 =	vld [tilespmem:s8+$0x159F0]  }
0xf1: {  	s4 =	sand.u32 $0x40, s4;
	v10 =	vadd.f32 v10, v15;
	v17 =	vld.idx.msk [tilespmem:v9+s5+$0x0], $0xffff;
	v0 =	vmax.f32 v0, $0.0e+00  }
0xf2: {  	s26 =	sadd.s32 s4, s0;
	v1 =	vmax.f32 v1, $0.0e+00;
	[tilespmem:s3+$0x80] =	vst v0;
	v0 =	vld [tilespmem:s8+$0x16DF0]  }
0xf3: {  	v16 =	vor.u32 $0x80, v12;
	[tilespmem:s26+$0x0] =	vst v1;
	v1 =	vmax.f32 v10, $0.0e+00;
	v10 =	vld [tilespmem:s8+$0x16DC0]  }
0xf4: {  	s11 =	simm.s32 $0x10;
	v29 =	vshll.u32 v23, $0x3;
	v31 =	vshll.u32 v26, $0x3;
	v18 =	vor.u32 $0x280, v3;
	v14 =	vld.idx.msk [tilespmem:v14+s5+$0x0], $0xffff  }
0xf5: {  	s4 =	sand.u32 $0x50, s11;
	v23 =	vand.u32 $0x7F, v23;
	v29 =	vand.u32 $0xFFFFFC00, v29;
	v7 =	vld.idx.msk [tilespmem:v7+s5+$0x0], $0xffff;
	v24 =	vshll.u32 v4, $0x3  }
0xf6: {  	s28 =	sadd.s32 s4, s0;
	v15 =	vor.u32 $0x80, v11;
	v4 =	vand.u32 $0x7F, v4;
	v24 =	vand.u32 $0xFFFFFC00, v24  }
0xf7: {  	v30 =	vld [tilespmem:s8+$0x159E0];
	v20 =	vor.u32 $0x80, v9;
	[tilespmem:s28+$0x0] =	vst v1;
	v1 =	vor.u32 v4, v24;
	v25 =	vshll.u32 v0, $0x3  }
0xf8: {  	v16 =	vld.idx.msk [tilespmem:v16+s5+$0x0], $0xffff;
	v4 =	vadd.f32 v13, v17;
	v0 =	vand.u32 $0x7F, v0;
	v25 =	vand.u32 $0xFFFFFC00, v25  }
0xf9: {  	s14 =	simm.s32 $0x20;
	v18 =	vld.idx.msk [tilespmem:v18+s5+$0x0], $0xffff;
	v28 =	vshll.u32 v10, $0x3;
	v10 =	vand.u32 $0x7F, v10;
	v0 =	vor.u32 v0, v25  }
0xfa: {  	s4 =	sand.u32 $0x60, s14;
	v28 =	vand.u32 $0xFFFFFC00, v28;
	v7 =	vadd.f32 v7, v14;
	v25 =	vld [tilespmem:s8+$0x159D0];
	v14 =	vor.u32 $0x200, v0  }
0xfb: {  	s29 =	sadd.s32 s4, s0;
	v5 =	vor.u32 $0x180, v5;
	v13 =	vld.idx.msk [tilespmem:v15+s5+$0x0], $0xffff;
	v4 =	vmax.f32 v4, $0.0e+00;
	v28 =	vor.u32 v10, v28  }
0xfc: {  	v33 =	vshll.u32 v30, $0x3;
	v29 =	vor.u32 v23, v29;
	v24 =	vld [tilespmem:s8+$0x159C0];
	[tilespmem:s29+$0x0] =	vst v4;
	v23 =	vor.u32 $0x200, v28  }
0xfd: {  	v33 =	vand.u32 $0xFFFFFC00, v33;
	v6 =	vor.u32 $0x380, v6;
	v20 =	vld.idx.msk [tilespmem:v20+s5+$0x0], $0xffff;
	v7 =	vmax.f32 v7, $0.0e+00  }
0xfe: {  	v19 =	vor.u32 $0x280, v2;
	v21 =	vor.u32 $0x280, v8;
	v32 =	vld.idx.msk [tilespmem:v1+s5+$0x0], $0xffff;
	[tilespmem:s3+$0x100] =	vst v7;
	v7 =	vand.u32 $0xFFFFFC00, v31  }
0xff: {  	v4 =	vshll.u32 v25, $0x3;
	v25 =	vand.u32 $0x7F, v25;
	v10 =	vld.idx.msk [tilespmem:v14+s5+$0x0], $0xffff;
	v14 =	vand.u32 $0x7F, v26  }
0x100: {  	v5 =	vld.idx.msk [tilespmem:v5+s5+$0x0], $0xffff;
	v4 =	vand.u32 $0xFFFFFC00, v4;
	v31 =	vor.u32 v14, v7;
	v7 =	vor.u32 $0x200, v29  }
0x101: {  	v27 =	vor.u32 $0x300, v3;
	v35 =	vld.idx.msk [tilespmem:v23+s5+$0x0], $0xffff;
	v23 =	vand.u32 $0x7F, v30;
	v30 =	vor.u32 v25, v4  }
0x102: {  	v22 =	vor.u32 $0x100, v12;
	v37 =	vor.u32 $0x300, v8;
	v26 =	vld.idx.msk [tilespmem:v6+s5+$0x0], $0xffff;
	v33 =	vor.u32 v23, v33  }
0x103: {  	s15 =	simm.s32 $0x100;
	v34 =	vor.u32 $0x80, v1;
	v59 =	vor.u32 $0x280, v0;
	v6 =	vshll.u32 v24, $0x3;
	v14 =	vld.idx.msk [tilespmem:v19+s5+$0x0], $0xffff  }
0x104: {  	s16 =	simm.s32 $0x70;
	s0 =	sand.u32 $0x3E00, s15;
	v21 =	vld.idx.msk [tilespmem:v21+s5+$0x0], $0xffff;
	v24 =	vand.u32 $0x7F, v24;
	v6 =	vand.u32 $0xFFFFFC00, v6;
	v10 =	vadd.f32 v10, v32  }
0x105: {  	s17 =	sand.u32 $0x70, s16;
	s14 =	sadd.s32 $0x19FC0, s0;
	v15 =	vor.u32 $0x100, v11;
	v17 =	vor.u32 $0x300, v2;
	v24 =	vor.u32 v24, v6;
	v25 =	vld.idx.msk [tilespmem:v7+s5+$0x0], $0xffff  }
0x106: {  	s0 =	sadd.s32 s17, s14;
	v2 =	vor.u32 $0x380, v2;
	v19 =	vor.u32 $0x200, v31;
	v40 =	vld.idx.msk [tilespmem:v30+s5+$0x0], $0xffff;
	v4 =	vmax.f32 v10, $0.0e+00  }
0x107: {  	v41 =	vor.u32 $0x280, v28;
	v61 =	vor.u32 $0x300, v0;
	v7 =	vor.u32 $0x380, v3;
	v42 =	vld.idx.msk [tilespmem:v33+s5+$0x0], $0xffff;
	[tilespmem:s0+$0x0] =	vst v4  }
0x108: {  	v3 =	vor.u32 $0x380, v8;
	v8 =	vadd.f32 v14, v13;
	v10 =	vadd.f32 v26, v5;
	v26 =	vld.idx.msk [tilespmem:v34+s5+$0x0], $0xffff  }
0x109: {  	v6 =	vor.u32 $0x180, v12;
	v4 =	vor.u32 $0x180, v11;
	v11 =	vadd.f32 v18, v16;
	v32 =	vld.idx.msk [tilespmem:v59+s5+$0x0], $0xffff  }
0x10a: {  	v12 =	vor.u32 $0x100, v9;
	v38 =	vld.idx.msk [tilespmem:v24+s5+$0x0], $0xffff;
	v60 =	vmax.f32 v10, $0.0e+00;
	v10 =	vmax.f32 v8, $0.0e+00  }
0x10b: {  	v23 =	vor.u32 $0x80, v30;
	v36 =	vld.idx.msk [tilespmem:v19+s5+$0x0], $0xffff;
	v5 =	vor.u32 $0x180, v9;
	v9 =	vmax.f32 v11, $0.0e+00;
	[tilespmem:s28+$0x80] =	vst v10  }
0x10c: {  	v39 =	vor.u32 $0x80, v24;
	v14 =	vor.u32 $0x180, v24;
	[tilespmem:s26+$0x80] =	vst v9;
	v9 =	vadd.f32 v21, v20;
	v43 =	vld.idx.msk [tilespmem:v15+s5+$0x0], $0xffff  }
0x10d: {  	v19 =	vor.u32 $0x80, v33;
	v16 =	vor.u32 $0x280, v29;
	v21 =	vor.u32 $0x100, v1;
	v20 =	vld.idx.msk [tilespmem:v22+s5+$0x0], $0xffff  }
0x10e: {  	v18 =	vor.u32 $0x280, v31;
	v27 =	vld.idx.msk [tilespmem:v27+s5+$0x0], $0xffff;
	v13 =	vmax.f32 v9, $0.0e+00;
	v22 =	vadd.f32 v32, v26  }
0x10f: {  	s4 =	simm.s32 $0x40;
	v8 =	vor.u32 $0x100, v24;
	v11 =	vor.u32 $0x300, v28;
	v44 =	vld.idx.msk [tilespmem:v17+s5+$0x0], $0xffff;
	v15 =	vadd.f32 v35, v38;
	[tilespmem:s29+$0x80] =	vst v13  }
0x110: {  	s9 =	sand.u32 $0x40, s4;
	v10 =	vor.u32 $0x100, v30;
	[tilespmem:s3+$0x180] =	vst v60;
	v62 =	vadd.f32 v25, v40;
	v24 =	vld.idx.msk [tilespmem:v12+s5+$0x0], $0xffff;
	v17 =	vmax.f32 v22, $0.0e+00  }
0x111: {  	s30 =	simm.s32 $0x50;
	s3 =	sadd.s32 s9, s14;
	v63 =	vadd.f32 v36, v42;
	v9 =	vor.u32 $0x300, v29;
	v15 =	vmax.f32 v15, $0.0e+00;
	v25 =	vld.idx.msk [tilespmem:v37+s5+$0x0], $0xffff;
	[tilespmem:s0+$0x80] =	vst v17  }
0x112: {  	s10 =	simm.s32 $0x60;
	s8 =	sand.u32 $0x50, s30;
	v13 =	vor.u32 $0x100, v33;
	v12 =	vor.u32 $0x300, v31;
	[tilespmem:s3+$0x0] =	vst v15;
	v15 =	vmax.f32 v62, $0.0e+00;
	v26 =	vld.idx.msk [tilespmem:v21+s5+$0x0], $0xffff  }
0x113: {  	s31 =	sand.u32 $0x60, s10;
	s16 =	sadd.s32 s8, s14;
	v22 =	vor.u32 $0x380, v28;
	v21 =	vor.u32 $0x180, v30;
	v28 =	vld.idx.msk [tilespmem:v61+s5+$0x0], $0xffff;
	v30 =	vadd.f32 v27, v20  }
0x114: {  	s17 =	sadd.s32 s31, s14;
	[tilespmem:s16+$0x0] =	vst v15;
	v15 =	vor.u32 $0x380, v31;
	v20 =	vor.u32 $0x380, v29;
	v29 =	vmax.f32 v63, $0.0e+00;
	v27 =	vld.idx.msk [tilespmem:v39+s5+$0x0], $0xffff  }
0x115: {  	s15 =	simm.s32 $0x200;
	s14 =	simm.s32 $0x4;
	v17 =	vor.u32 $0x180, v33;
	[tilespmem:s17+$0x0] =	vst v29;
	v29 =	vld.idx.msk [tilespmem:v41+s5+$0x0], $0xffff;
	v31 =	vmax.f32 v30, $0.0e+00;
	v30 =	vadd.f32 v44, v43  }
.LBB2_6:
0x116: {  	s8 =	sshra.s32 s15, $0x2;
	v32 =	vld.idx.msk [tilespmem:v23+s5+$0x0], $0xffff;
	[tilespmem:s26+$0x100] =	vst v31  }
0x117: {  	v24 =	vadd.f32 v25, v24;
	v23 =	vld [tilespmem:s8+$0x159F0];
	v30 =	vmax.f32 v30, $0.0e+00  }
0x118: {  	v1 =	vor.u32 $0x180, v1;
	v25 =	vld [tilespmem:s8+$0x16DF0];
	[tilespmem:s28+$0x100] =	vst v30  }
0x119: {  	v0 =	vor.u32 $0x380, v0;
	v26 =	vadd.f32 v28, v26;
	v24 =	vmax.f32 v24, $0.0e+00;
	v30 =	vld [tilespmem:s8+$0x16DC0]  }
0x11a: {  	s14 =	sadd.s32 $0x4, s14;
	v28 =	vld [tilespmem:s8+$0x16DD0];
	[tilespmem:s29+$0x100] =	vst v24  }
0x11b: {  	p2 =	slt.u32 s14, $0x9C;
	v27 =	vadd.f32 v29, v27;
	v26 =	vmax.f32 v26, $0.0e+00;
	v24 =	vld [tilespmem:s8+$0x16DE0]  }
0x11c: {  	v29 =	vld [tilespmem:s8+$0x159C0];
	[tilespmem:s0+$0x100] =	vst v26  }
0x11d: {  	v26 =	vshll.u32 v23, $0x3;
	v23 =	vand.u32 $0x7F, v23;
	v31 =	vshll.u32 v25, $0x3;
	v33 =	vld.idx.msk [tilespmem:v1+s5+$0x0], $0xffff  }
0x11e: {  	v1 =	vand.u32 $0xFFFFFC00, v26;
	v25 =	vand.u32 $0x7F, v25;
	v26 =	vand.u32 $0xFFFFFC00, v31;
	v31 =	vld.idx.msk [tilespmem:v0+s5+$0x0], $0xffff  }
0x11f: {  	v34 =	vshll.u32 v30, $0x3;
	v1 =	vor.u32 v23, v1;
	v35 =	vld [tilespmem:s8+$0x159D0];
	v0 =	vor.u32 v25, v26  }
0x120: {  	v23 =	vshll.u32 v28, $0x3;
	v25 =	vld [tilespmem:s8+$0x159E0];
	v26 =	vshll.u32 v24, $0x3;
	v36 =	vor.u32 $0x200, v0  }
0x121: {  	v34 =	vand.u32 $0xFFFFFC00, v34;
	v23 =	vand.u32 $0xFFFFFC00, v23;
	v26 =	vand.u32 $0xFFFFFC00, v26;
	v37 =	vld.idx.msk [tilespmem:v16+s5+$0x0], $0xffff  }
0x122: {  	v30 =	vand.u32 $0x7F, v30;
	v28 =	vand.u32 $0x7F, v28;
	v16 =	vshll.u32 v29, $0x3;
	v38 =	vld.idx.msk [tilespmem:v19+s5+$0x0], $0xffff  }
0x123: {  	v30 =	vor.u32 v30, v34;
	v28 =	vor.u32 v28, v23;
	v19 =	vand.u32 $0x7F, v24;
	v24 =	vld.idx.msk [tilespmem:v18+s5+$0x0], $0xffff  }
0x124: {  	v26 =	vor.u32 v19, v26;
	v23 =	vadd.f32 v31, v33;
	v18 =	vshll.u32 v35, $0x3;
	v19 =	vld.idx.msk [tilespmem:v1+s5+$0x0], $0xffff  }
0x125: {  	v16 =	vand.u32 $0xFFFFFC00, v16;
	v18 =	vand.u32 $0xFFFFFC00, v18;
	v31 =	vshll.u32 v25, $0x3;
	v33 =	vld.idx.msk [tilespmem:v36+s5+$0x0], $0xffff  }
0x126: {  	v29 =	vand.u32 $0x7F, v29;
	v23 =	vmax.f32 v23, $0.0e+00;
	v31 =	vand.u32 $0xFFFFFC00, v31;
	v34 =	vld.idx.msk [tilespmem:v6+s5+$0x0], $0xffff;
	v6 =	vmovc v14  }
0x127: {  	v35 =	vand.u32 $0x7F, v35;
	v25 =	vand.u32 $0x7F, v25;
	v14 =	vor.u32 $0x200, v30;
	[tilespmem:s0+$0x180] =	vst v23;
	v36 =	vld.idx.msk [tilespmem:v7+s5+$0x0], $0xffff;
	v7 =	vmovc v22  }
0x128: {  	v39 =	vor.u32 $0x200, v26;
	v22 =	vor.u32 v29, v16;
	v29 =	vor.u32 $0x200, v28;
	v40 =	vld.idx.msk [tilespmem:v4+s5+$0x0], $0xffff;
	v4 =	vmovc v21  }
0x129: {  	v35 =	vor.u32 v35, v18;
	v25 =	vor.u32 v25, v31;
	v41 =	vor.u32 $0x80, v22;
	v31 =	vld.idx.msk [tilespmem:v2+s5+$0x0], $0xffff;
	v2 =	vmovc v20  }
0x12a: {  	s4 =	sadd.s32 $0x40, s4;
	v42 =	vor.u32 $0x280, v30;
	v23 =	vor.u32 $0x80, v35;
	v20 =	vor.u32 $0x80, v1;
	v43 =	vld.idx.msk [tilespmem:v5+s5+$0x0], $0xffff;
	v5 =	vmovc v17  }
0x12b: {  	s9 =	sadd.s32 $0x30, s4;
	s8 =	sadd.s32 $0x10, s4;
	s0 =	sand.u32 $0x3E00, s15;
	v16 =	vor.u32 $0x280, v28;
	v21 =	vor.u32 $0x280, v0;
	v17 =	vadd.f32 v33, v19;
	v33 =	vld.idx.msk [tilespmem:v3+s5+$0x0], $0xffff;
	v3 =	vmovc v15  }
0x12c: {  	s9 =	sand.u32 $0x70, s9;
	v18 =	vor.u32 $0x280, v26;
	s10 =	sadd.s32 $0x19FC0, s0;
	s0 =	sadd.s32 $0x20, s4;
	v19 =	vor.u32 $0x80, v25;
	v44 =	vld.idx.msk [tilespmem:v14+s5+$0x0], $0xffff;
	v14 =	vadd.f32 v37, v32  }
0x12d: {  	s8 =	sand.u32 $0x50, s8;
	v24 =	vadd.f32 v24, v38;
	s11 =	sand.u32 $0x60, s0;
	s0 =	sadd.s32 s9, s10;
	v15 =	vmax.f32 v17, $0.0e+00;
	v17 =	vmax.f32 v27, $0.0e+00;
	v29 =	vld.idx.msk [tilespmem:v29+s5+$0x0], $0xffff  }
0x12e: {  	s9 =	sand.u32 $0x40, s4;
	s8 =	sadd.s32 s8, s10;
	s11 =	sadd.s32 s11, s10;
	v27 =	vor.u32 $0x100, v22;
	v32 =	vor.u32 $0x300, v30;
	v37 =	vld.idx.msk [tilespmem:v39+s5+$0x0], $0xffff;
	[tilespmem:s0+$0x0] =	vst v15;
	v15 =	vmax.f32 v14, $0.0e+00  }
0x12f: {  	v38 =	vor.u32 $0x100, v35;
	s9 =	sadd.s32 s9, s10;
	v39 =	vor.u32 $0x300, v28;
	v45 =	vld.idx.msk [tilespmem:v20+s5+$0x0], $0xffff;
	[tilespmem:s3+$0x80] =	vst v17;
	v17 =	vmax.f32 v24, $0.0e+00  }
0x130: {  	v47 =	vor.u32 $0x300, v26;
	v46 =	vor.u32 $0x100, v25;
	v14 =	vor.u32 $0x180, v22;
	v24 =	vld.idx.msk [tilespmem:v21+s5+$0x0], $0xffff;
	[tilespmem:s16+$0x80] =	vst v15  }
0x131: {  	v20 =	vor.u32 $0x380, v28;
	v21 =	vor.u32 $0x180, v35;
	v48 =	vld.idx.msk [tilespmem:v22+s5+$0x0], $0xffff;
	v22 =	vor.u32 $0x380, v30;
	[tilespmem:s17+$0x80] =	vst v17  }
0x132: {  	v15 =	vor.u32 $0x380, v26;
	v26 =	vadd.f32 v36, v34;
	v17 =	vor.u32 $0x180, v25;
	v28 =	vld.idx.msk [tilespmem:v35+s5+$0x0], $0xffff  }
0x133: {  	v30 =	vadd.f32 v31, v40;
	v31 =	vadd.f32 v33, v43;
	v25 =	vld.idx.msk [tilespmem:v25+s5+$0x0], $0xffff  }
0x134: {  	v26 =	vmax.f32 v26, $0.0e+00;
	v33 =	vld.idx.msk [tilespmem:v8+s5+$0x0], $0xffff;
	v8 =	vmov v27  }
0x135: {  	v27 =	vor.u32 $0x100, v1;
	v34 =	vld.idx.msk [tilespmem:v11+s5+$0x0], $0xffff;
	[tilespmem:s26+$0x180] =	vst v26;
	v26 =	vmax.f32 v30, $0.0e+00;
	v30 =	vmax.f32 v31, $0.0e+00;
	v11 =	vmovc v32;
	s26 =	smov.u32 s3;
	s3 =	smov.u32 s9  }
0x136: {  	v24 =	vadd.f32 v24, v45;
	v31 =	vor.u32 $0x300, v0;
	v32 =	vld.idx.msk [tilespmem:v10+s5+$0x0], $0xffff;
	[tilespmem:s28+$0x180] =	vst v26;
	v10 =	vmov v38;
	s28 =	smov.u32 s16;
	s16 =	smov.u32 s8  }
0x137: {  	v26 =	vadd.f32 v44, v48;
	v35 =	vld.idx.msk [tilespmem:v9+s5+$0x0], $0xffff;
	[tilespmem:s29+$0x180] =	vst v30;
	v9 =	vmov v39;
	s29 =	smov.u32 s17;
	s17 =	smov.u32 s11  }
0x138: {  	v28 =	vadd.f32 v29, v28;
	v29 =	vmax.f32 v24, $0.0e+00;
	v24 =	vld.idx.msk [tilespmem:v13+s5+$0x0], $0xffff;
	v13 =	vmov v46  }
.Ltmp6:
0x139: {  	v26 =	vmax.f32 v26, $0.0e+00;
	v30 =	vadd.f32 v37, v25;
	[tilespmem:s0+$0x80] =	vst v29;
	v25 =	vld.idx.msk [tilespmem:v12+s5+$0x0], $0xffff;
	v12 =	vmov v47;
	(pc) =	sbr.rel @p2 .LBB2_6-.Ltmp6, $4  }
0x13a: {  	v28 =	vmax.f32 v28, $0.0e+00;
	[tilespmem:s3+$0x0] =	vst v26;
	v26 =	vld.idx.msk [tilespmem:v27+s5+$0x0], $0xffff  }
0x13b: {  	v29 =	vmax.f32 v30, $0.0e+00;
	v30 =	vadd.f32 v34, v33;
	[tilespmem:s16+$0x0] =	vst v28;
	v28 =	vld.idx.msk [tilespmem:v31+s5+$0x0], $0xffff  }
0x13c: {  	v27 =	vld.idx.msk [tilespmem:v41+s5+$0x0], $0xffff;
	[tilespmem:s17+$0x0] =	vst v29  }
0x13d: {  	s15 =	sadd.s32 $0x100, s15;
	v31 =	vmax.f32 v30, $0.0e+00;
	v30 =	vadd.f32 v35, v32;
	v29 =	vld.idx.msk [tilespmem:v42+s5+$0x0], $0xffff  }
0x13e: {  	_ =	sdelay $0x3  }
0x13f: {  	v23 =	vld.idx.msk [tilespmem:v23+s5+$0x0], $0xffff  }
0x140: {  	v16 =	vld.idx.msk [tilespmem:v16+s5+$0x0], $0xffff  }
0x141: {  	v19 =	vld.idx.msk [tilespmem:v19+s5+$0x0], $0xffff  }
0x142: {  	v18 =	vld.idx.msk [tilespmem:v18+s5+$0x0], $0xffff;
	[tilespmem:s26+$0x100] =	vst v31  }
0x143: {  	v6 =	vld.idx.msk [tilespmem:v6+s5+$0x0], $0xffff;
	v46 =	vmax.f32 v30, $0.0e+00;
	v43 =	vadd.f32 v29, v27  }
0x144: {  	v7 =	vld.idx.msk [tilespmem:v7+s5+$0x0], $0xffff;
	[tilespmem:s28+$0x100] =	vst v46  }
0x145: {  	v4 =	vld.idx.msk [tilespmem:v4+s5+$0x0], $0xffff;
	v16 =	vadd.f32 v16, v23;
	v44 =	vmax.f32 v43, $0.0e+00  }
0x146: {  	v2 =	vld.idx.msk [tilespmem:v2+s5+$0x0], $0xffff;
	[tilespmem:s3+$0x80] =	vst v44  }
0x147: {  	v18 =	vadd.f32 v18, v19;
	v16 =	vmax.f32 v16, $0.0e+00;
	v8 =	vld.idx.msk [tilespmem:v8+s5+$0x0], $0xffff  }
0x148: {  	[tilespmem:s16+$0x80] =	vst v16;
	v11 =	vld.idx.msk [tilespmem:v11+s5+$0x0], $0xffff  }
0x149: {  	v47 =	vadd.f32 v25, v24;
	v45 =	vmax.f32 v18, $0.0e+00;
	v10 =	vld.idx.msk [tilespmem:v10+s5+$0x0], $0xffff  }
0x14a: {  	v1 =	vor.u32 $0x180, v1;
	[tilespmem:s17+$0x80] =	vst v45;
	v9 =	vld.idx.msk [tilespmem:v9+s5+$0x0], $0xffff  }
0x14b: {  	v0 =	vor.u32 $0x380, v0;
	v26 =	vadd.f32 v28, v26;
	v48 =	vmax.f32 v47, $0.0e+00;
	v13 =	vld.idx.msk [tilespmem:v13+s5+$0x0], $0xffff  }
0x14c: {  	[tilespmem:s29+$0x100] =	vst v48;
	v12 =	vld.idx.msk [tilespmem:v12+s5+$0x0], $0xffff  }
0x14d: {  	v26 =	vmax.f32 v26, $0.0e+00;
	v5 =	vld.idx.msk [tilespmem:v5+s5+$0x0], $0xffff;
	v8 =	vadd.f32 v11, v8  }
0x14e: {  	v3 =	vld.idx.msk [tilespmem:v3+s5+$0x0], $0xffff;
	[tilespmem:s0+$0x100] =	vst v26  }
0x14f: {  	v1 =	vld.idx.msk [tilespmem:v1+s5+$0x0], $0xffff;
	v9 =	vadd.f32 v9, v10;
	v8 =	vmax.f32 v8, $0.0e+00  }
0x150: {  	v0 =	vld.idx.msk [tilespmem:v0+s5+$0x0], $0xffff;
	[tilespmem:s3+$0x100] =	vst v8  }
0x151: {  	v50 =	vadd.f32 v12, v13;
	v49 =	vmax.f32 v9, $0.0e+00;
	v51 =	vld.idx.msk [tilespmem:v14+s5+$0x0], $0xffff  }
0x152: {  	[tilespmem:s16+$0x100] =	vst v49;
	v52 =	vld.idx.msk [tilespmem:v22+s5+$0x0], $0xffff  }
0x153: {  	v9 =	vmax.f32 v50, $0.0e+00;
	v53 =	vld.idx.msk [tilespmem:v21+s5+$0x0], $0xffff  }
0x154: {  	[tilespmem:s17+$0x100] =	vst v9;
	v54 =	vld.idx.msk [tilespmem:v20+s5+$0x0], $0xffff  }
0x155: {  	v6 =	vadd.f32 v7, v6;
	v55 =	vld.idx.msk [tilespmem:v17+s5+$0x0], $0xffff  }
0x156: {  	v2 =	vadd.f32 v2, v4;
	v56 =	vld.idx.msk [tilespmem:v15+s5+$0x0], $0xffff  }
0x157: {  	v58 =	vmax.f32 v6, $0.0e+00;
	v0 =	vadd.f32 v0, v1  }
0x158: {  	v57 =	vadd.f32 v3, v5;
	[tilespmem:s26+$0x180] =	vst v58;
	v2 =	vmax.f32 v2, $0.0e+00  }
0x159: {  	[tilespmem:s28+$0x180] =	vst v2;
	v0 =	vmax.f32 v0, $0.0e+00;
	v59 =	vadd.f32 v52, v51  }
0x15a: {  	[tilespmem:s0+$0x180] =	vst v0;
	v0 =	vmax.f32 v57, $0.0e+00;
	v60 =	vadd.f32 v54, v53  }
.Ltmp7:
0x15b: {  	[tilespmem:s29+$0x180] =	vst v0;
	v61 =	vadd.f32 v56, v55;
	v62 =	vmax.f32 v59, $0.0e+00;
	(pc) =	sbr.rel .LBB2_8-.Ltmp7, $4  }
0x15c: {  	s31 =	smul.u32 $0x500, s25;
	[tilespmem:s3+$0x180] =	vst v62;
	v63 =	vmax.f32 v60, $0.0e+00  }
0x15d: {  	v0 =	vmax.f32 v61, $0.0e+00;
	[tilespmem:s16+$0x180] =	vst v63  }
0x15e: {  	s0 =	sadd.s32 s2, s31;
	[tilespmem:s17+$0x180] =	vst v0  }
0x15f: {  	[hbm4b:s0+s5] =	stream.linear.scatter [tilespmem:s22], [sflag:$0x4], $0x2800, $0x38;
	[tilespmem:$0x1C7C0] =	vst v63  }
.LBB2_10:
0x160: {  	_ =	sfence.sel $0x180000  }
0x161: {  	[bflag:$0x0] =	sbarrier.arrive $0xFFFF  }
0x162: {  	_ =	strace $0x90000047  }
0x163: {  	s0 =	stileid.u32;
	[bflag:$0x2] =	sbarrier.arrive $0xFFFF  }
0x164: {  	p0 =	sne.s32 s0, $0x0;
	s0 =	rddreg [dreg:$0x4]  }
0x165: {  	s0 =	sadd.s32 @!p0 $0x100000, s0  }
0x166: {  	[sflag:s0] =	ssyncadd.tile.s32 @!p0 $0x1;
	_ =	shalt  }
.Lfunc_end2:
_tile_overlayer_lowered:
.L_overlay_start_2:
0x167: {  	(tag) =	ssettag $0x2  }
0x168: {  	s0 =	rddreg [dreg:$0x0];
	s2 =	stileid.u32  }
0x169: {  	s1 =	rddreg [dreg:$0x1];
	p0 =	sne.s32 s2, $0x0  }
0x16a: {  	s3 =	rddreg [dreg:$0x2];
	[bflag:$0x3] =	sbarrier.arrive $0xFFFF;
	s2 =	simm.s32 @!p0 $0x1C05  }
0x16b: {  	[timem:s3], [sflag:s2] =	dma.local @!p0 [hbm:s0], s1  }
0x16c: {  	s0 =	simm.s32 @!p0 $0x5  }
0x16d: {  	_ =	swait.ge @!p0 [sflag:s0], s1  }
0x16e: {  	s1 =	ssub.s32 @!p0 $0x0, s1;
	[sflag:s0] =	ssyncset.done @!p0 $0x0  }
0x16f: {  	[sflag:s0] =	ssyncadd.s32 @!p0 s1  }
0x170: {  	[bflag:$0x3] =	sbarrier.arrive $0xFFFF  }
0x171: {  	_ =	shalt  }

</sc_bundles>
